<compile_context>
chip_gen: v7x
topology: tpu7x:2x2x1
jax: 0.10.2.dev20260603
libtpu: 0.0.44.dev20260713+nightly
codegen_flags: <defaults>
</compile_context>

<pallas_src>
import functools

import jax
import jax.numpy as jnp
from jax import lax
from jax.experimental import pallas as pl
from jax.experimental.pallas import tpu as pltpu
from jax.experimental.pallas import tpu_sc as plsc

_NUM_CLASSES = 100000
_D = 64
_B = 16384
_LAMBDA_C = 1.0

_L = 16
_NC = 2
_NS = 16
_NW = _NC * _NS
_DPW = _D // _NW
_BQ = _B // 4


def _make_sc_kernel():
    mesh = plsc.VectorSubcoreMesh(core_axis_name="c", subcore_axis_name="s")

    @functools.partial(
        pl.kernel,
        mesh=mesh,
        compiler_params=pltpu.CompilerParams(needs_layout_passes=False),
        out_type=jax.ShapeDtypeStruct((_NW, _L), jnp.float32),
        scratch_types=[
            pltpu.VMEM((_NUM_CLASSES,), jnp.float32),
            pltpu.VMEM((_BQ,), jnp.int32),
            pltpu.VMEM((_BQ,), jnp.int32),
            pltpu.VMEM((_BQ,), jnp.float32),
            pltpu.VMEM((_BQ,), jnp.float32),
            pltpu.VMEM((_L,), jnp.float32),
            pltpu.SemaphoreType.DMA,
            pltpu.SemaphoreType.DMA,
            pltpu.SemaphoreType.DMA,
        ],
    )
    def sc_kernel(ct_hbm, y_hbm, ht_hbm, out_hbm,
                  crow, yq0, yq1, hq0, hq1, acc_v, csem, qsem0, qsem1):
        yqs = (yq0, yq1)
        hqs = (hq0, hq1)
        qsems = (qsem0, qsem1)
        wid = lax.axis_index("s") * _NC + lax.axis_index("c")

        def issue_q(d, q):
            b = q % 2
            return [
                pltpu.async_copy(y_hbm.at[pl.ds(q * _BQ, _BQ)], yqs[b],
                                 qsems[b]),
                pltpu.async_copy(ht_hbm.at[d, pl.ds(q * _BQ, _BQ)], hqs[b],
                                 qsems[b]),
            ]

        zero = jnp.zeros((_L,), jnp.float32)
        accs = (zero,) * 8

        d0 = wid * _DPW
        ccopy = pltpu.async_copy(ct_hbm.at[d0], crow, csem)
        pending = issue_q(d0, 0)

        for k in range(_DPW):
            d = d0 + k
            ccopy.wait()
            for q in range(4):
                b = q % 2
                if q + 1 < 4:
                    nxt = issue_q(d, q + 1)
                elif k + 1 < _DPW:
                    nxt = issue_q(d + 1, 0)
                else:
                    nxt = None
                for c in pending:
                    c.wait()
                pending = nxt

                yq, hq = yqs[b], hqs[b]

                @plsc.parallel_loop(0, _BQ, step=8 * _L, carry=accs)
                def accs(o, accs, yq=yq, hq=hq):
                    a = list(accs)
                    for u in range(8):
                        iv = yq[pl.ds(o + u * _L, _L)]
                        gv = plsc.load_gather(crow, [iv])
                        hv = hq[pl.ds(o + u * _L, _L)]
                        dv = hv - gv
                        a[u] = a[u] + dv * dv
                    return tuple(a)

            if k + 1 < _DPW:
                ccopy = pltpu.async_copy(ct_hbm.at[d + 1], crow, csem)

        a0, a1, a2, a3, a4, a5, a6, a7 = accs
        acc_v[...] = ((a0 + a1) + (a2 + a3)) + ((a4 + a5) + (a6 + a7))
        pltpu.sync_copy(acc_v, out_hbm.at[wid])

    return sc_kernel


_sc_kernel = _make_sc_kernel()


def kernel(y, hidden, centers):
    ct = jnp.transpose(centers)
    ht = jnp.transpose(hidden)
    partials = _sc_kernel(ct, y.astype(jnp.int32), ht)
    return (_LAMBDA_C / 2.0 / _B) * jnp.sqrt(jnp.sum(partials))

# --- scband reference (transcript-rebuilt; emitter-appended) ---
"""Pipeline reference for scband-center-loss-5153960755212 (READ-ONLY COPY).

The authoritative reference and input builder live on the scoring server;
editing this copy changes nothing except your own understanding.
"""

import jax, jax.numpy as jnp
import numpy as np

NUM_CLASSES = 100000
DIM_HIDDEN = 64
BATCH = 16384
LAMBDA_C = 1.0


def setup_inputs(seed: int = 0) -> dict:
    key = jax.random.key(seed)
    k1, k2, k3 = jax.random.split(key, 3)
    y = jax.random.randint(k1, (BATCH,), 0, NUM_CLASSES, dtype=jnp.int64 if jax.config.read('jax_enable_x64') else jnp.int32)
    hidden = jax.random.normal(k2, (BATCH, DIM_HIDDEN), dtype=jnp.float32)
    centers = jax.random.normal(k3, (NUM_CLASSES, DIM_HIDDEN), dtype=jnp.float32)
    return {"y": y, "hidden": hidden, "centers": centers}


def reference(y, hidden, centers):
    batch_size = hidden.shape[0]
    expanded_centers = jnp.take(centers, y, axis=0)  # gather: centers.index_select(0, y)
    diff = hidden - expanded_centers
    intra_distances = jnp.sqrt(jnp.sum(diff * diff))  # torch.Tensor.dist default p=2 (Frobenius norm)
    loss = LAMBDA_C / 2.0 / batch_size * intra_distances
    return loss

if __name__ == "__main__":
    import jax
    _d = setup_inputs()
    print(jax.jit(kernel)(*tuple(_d.values())))

</pallas_src>

<mosaic_0001>
#map = affine_map<(d0, d1) -> (0, 0)>
#map1 = affine_map<(d0, d1) -> (0)>
module attributes {stable_mosaic.version = 14 : i64} {
  func.func @sc_kernel(%arg0: i32, %arg1: i32, %arg2: memref<64x100000xf32, #tpu.memory_space<hbm>>, %arg3: memref<16384xi32, #tpu.memory_space<hbm>>, %arg4: memref<64x16384xf32, #tpu.memory_space<hbm>>, %arg5: memref<32x16xf32, #tpu.memory_space<hbm>>, %arg6: memref<100000xf32, #tpu.memory_space<vmem>>, %arg7: memref<4096xi32, #tpu.memory_space<vmem>>, %arg8: memref<4096xi32, #tpu.memory_space<vmem>>, %arg9: memref<4096xf32, #tpu.memory_space<vmem>>, %arg10: memref<4096xf32, #tpu.memory_space<vmem>>, %arg11: memref<16xf32, #tpu.memory_space<vmem>>, %arg12: memref<!tpu.dma_semaphore, #tpu.memory_space<semaphore_mem>>, %arg13: memref<!tpu.dma_semaphore, #tpu.memory_space<semaphore_mem>>, %arg14: memref<!tpu.dma_semaphore, #tpu.memory_space<semaphore_mem>>) attributes {dimension_semantics = [#tpu.dimension_semantics<core_parallel>, #tpu.dimension_semantics<subcore_parallel>], iteration_bounds = array<i64: 2, 16>, scalar_prefetch = 0 : i64, scratch_operands = 9 : i64, tpu.core_type = #tpu.core_type<sc_vector_subcore>, window_params = [{transform_indices = #map}, {transform_indices = #map1}, {transform_indices = #map}, {transform_indices = #map}]} {
    %mul3A = arith.constant 2 : i32
    %mul3A_0 = arith.muli %arg1, %mul3A : i32
    %add3A = arith.addi %mul3A_0, %arg0 : i32
    %broadcast_in_dim3A = arith.constant 0.000000e+00 : f32
    %broadcast_in_dim3A_1 = vector.broadcast %broadcast_in_dim3A : f32 to vector<16xf32>
    %mul3A_2 = arith.constant 2 : i32
    %mul3A_3 = arith.muli %add3A, %mul3A_2 : i32
    %dma_start3A = arith.constant 0 : i32
    %dma_start3A_4 = tpu.memref_slice %arg2[%mul3A_3, %dma_start3A] : memref<64x100000xf32, #tpu.memory_space<hbm>> -> memref<1x100000xf32, #tpu.memory_space<hbm>>
    %dma_start3A_5 = tpu.memref_squeeze %dma_start3A_4 : memref<1x100000xf32, #tpu.memory_space<hbm>> -> memref<100000xf32, #tpu.memory_space<hbm>>
    %dma_start3A_6 = arith.constant 0 : i32
    %dma_start3A_7 = tpu.memref_slice %arg2[%mul3A_3, %dma_start3A_6] : memref<64x100000xf32, #tpu.memory_space<hbm>> -> memref<1x100000xf32, #tpu.memory_space<hbm>>
    %dma_start3A_8 = tpu.memref_squeeze %dma_start3A_7 : memref<1x100000xf32, #tpu.memory_space<hbm>> -> memref<100000xf32, #tpu.memory_space<hbm>>
    tpu.enqueue_dma source(%dma_start3A_8 : memref<100000xf32, #tpu.memory_space<hbm>>) target(%arg6 : memref<100000xf32, #tpu.memory_space<vmem>>) target_semaphore(%arg12 : memref<!tpu.dma_semaphore, #tpu.memory_space<semaphore_mem>>)
    %dma_start3A_9 = arith.constant 0 : i32
    %dma_start3A_10 = tpu.memref_slice %arg3[%dma_start3A_9] : memref<16384xi32, #tpu.memory_space<hbm>> -> memref<4096xi32, #tpu.memory_space<hbm>>
    %dma_start3A_11 = arith.constant 0 : i32
    %dma_start3A_12 = tpu.memref_slice %arg3[%dma_start3A_11] : memref<16384xi32, #tpu.memory_space<hbm>> -> memref<4096xi32, #tpu.memory_space<hbm>>
    tpu.enqueue_dma source(%dma_start3A_12 : memref<4096xi32, #tpu.memory_space<hbm>>) target(%arg7 : memref<4096xi32, #tpu.memory_space<vmem>>) target_semaphore(%arg13 : memref<!tpu.dma_semaphore, #tpu.memory_space<semaphore_mem>>)
    %dma_start3A_13 = arith.constant 0 : i32
    %dma_start3A_14 = tpu.memref_slice %arg4[%mul3A_3, %dma_start3A_13] : memref<64x16384xf32, #tpu.memory_space<hbm>> -> memref<1x4096xf32, #tpu.memory_space<hbm>>
    %dma_start3A_15 = tpu.memref_squeeze %dma_start3A_14 : memref<1x4096xf32, #tpu.memory_space<hbm>> -> memref<4096xf32, #tpu.memory_space<hbm>>
    %dma_start3A_16 = arith.constant 0 : i32
    %dma_start3A_17 = tpu.memref_slice %arg4[%mul3A_3, %dma_start3A_16] : memref<64x16384xf32, #tpu.memory_space<hbm>> -> memref<1x4096xf32, #tpu.memory_space<hbm>>
    %dma_start3A_18 = tpu.memref_squeeze %dma_start3A_17 : memref<1x4096xf32, #tpu.memory_space<hbm>> -> memref<4096xf32, #tpu.memory_space<hbm>>
    tpu.enqueue_dma source(%dma_start3A_18 : memref<4096xf32, #tpu.memory_space<hbm>>) target(%arg9 : memref<4096xf32, #tpu.memory_space<vmem>>) target_semaphore(%arg13 : memref<!tpu.dma_semaphore, #tpu.memory_space<semaphore_mem>>)
    %add3A_19 = arith.constant 0 : i32
    %add3A_20 = arith.addi %mul3A_3, %add3A_19 : i32
    %dma_wait3A = arith.constant 0 : i32
    %dma_wait3A_21 = tpu.memref_slice %arg2[%mul3A_3, %dma_wait3A] : memref<64x100000xf32, #tpu.memory_space<hbm>> -> memref<1x100000xf32, #tpu.memory_space<hbm>>
    %dma_wait3A_22 = tpu.memref_squeeze %dma_wait3A_21 : memref<1x100000xf32, #tpu.memory_space<hbm>> -> memref<100000xf32, #tpu.memory_space<hbm>>
    %dma_wait3A_23 = arith.constant 0 : i32
    %dma_wait3A_24 = tpu.memref_slice %arg2[%mul3A_3, %dma_wait3A_23] : memref<64x100000xf32, #tpu.memory_space<hbm>> -> memref<1x100000xf32, #tpu.memory_space<hbm>>
    %dma_wait3A_25 = tpu.memref_squeeze %dma_wait3A_24 : memref<1x100000xf32, #tpu.memory_space<hbm>> -> memref<100000xf32, #tpu.memory_space<hbm>>
    tpu.wait_dma2 semaphore(%arg12 : memref<!tpu.dma_semaphore, #tpu.memory_space<semaphore_mem>>) src(%dma_wait3A_25 : memref<100000xf32, #tpu.memory_space<hbm>>) dst(%arg6 : memref<100000xf32, #tpu.memory_space<vmem>>)
    %dma_start3A_26 = arith.constant 4096 : i32
    %dma_start3A_27 = tpu.memref_slice %arg3[%dma_start3A_26] : memref<16384xi32, #tpu.memory_space<hbm>> -> memref<4096xi32, #tpu.memory_space<hbm>>
    %dma_start3A_28 = arith.constant 4096 : i32
    %dma_start3A_29 = tpu.memref_slice %arg3[%dma_start3A_28] : memref<16384xi32, #tpu.memory_space<hbm>> -> memref<4096xi32, #tpu.memory_space<hbm>>
    tpu.enqueue_dma source(%dma_start3A_29 : memref<4096xi32, #tpu.memory_space<hbm>>) target(%arg8 : memref<4096xi32, #tpu.memory_space<vmem>>) target_semaphore(%arg14 : memref<!tpu.dma_semaphore, #tpu.memory_space<semaphore_mem>>)
    %dma_start3A_30 = arith.constant 4096 : i32
    %dma_start3A_31 = tpu.memref_slice %arg4[%add3A_20, %dma_start3A_30] : memref<64x16384xf32, #tpu.memory_space<hbm>> -> memref<1x4096xf32, #tpu.memory_space<hbm>>
    %dma_start3A_32 = tpu.memref_squeeze %dma_start3A_31 : memref<1x4096xf32, #tpu.memory_space<hbm>> -> memref<4096xf32, #tpu.memory_space<hbm>>
    %dma_start3A_33 = arith.constant 4096 : i32
    %dma_start3A_34 = tpu.memref_slice %arg4[%add3A_20, %dma_start3A_33] : memref<64x16384xf32, #tpu.memory_space<hbm>> -> memref<1x4096xf32, #tpu.memory_space<hbm>>
    %dma_start3A_35 = tpu.memref_squeeze %dma_start3A_34 : memref<1x4096xf32, #tpu.memory_space<hbm>> -> memref<4096xf32, #tpu.memory_space<hbm>>
    tpu.enqueue_dma source(%dma_start3A_35 : memref<4096xf32, #tpu.memory_space<hbm>>) target(%arg10 : memref<4096xf32, #tpu.memory_space<vmem>>) target_semaphore(%arg14 : memref<!tpu.dma_semaphore, #tpu.memory_space<semaphore_mem>>)
    %dma_wait3A_36 = arith.constant 0 : i32
    %dma_wait3A_37 = tpu.memref_slice %arg3[%dma_wait3A_36] : memref<16384xi32, #tpu.memory_space<hbm>> -> memref<4096xi32, #tpu.memory_space<hbm>>
    %dma_wait3A_38 = arith.constant 0 : i32
    %dma_wait3A_39 = tpu.memref_slice %arg3[%dma_wait3A_38] : memref<16384xi32, #tpu.memory_space<hbm>> -> memref<4096xi32, #tpu.memory_space<hbm>>
    tpu.wait_dma2 semaphore(%arg13 : memref<!tpu.dma_semaphore, #tpu.memory_space<semaphore_mem>>) src(%dma_wait3A_39 : memref<4096xi32, #tpu.memory_space<hbm>>) dst(%arg7 : memref<4096xi32, #tpu.memory_space<vmem>>)
    %dma_wait3A_40 = arith.constant 0 : i32
    %dma_wait3A_41 = tpu.memref_slice %arg4[%mul3A_3, %dma_wait3A_40] : memref<64x16384xf32, #tpu.memory_space<hbm>> -> memref<1x4096xf32, #tpu.memory_space<hbm>>
    %dma_wait3A_42 = tpu.memref_squeeze %dma_wait3A_41 : memref<1x4096xf32, #tpu.memory_space<hbm>> -> memref<4096xf32, #tpu.memory_space<hbm>>
    %dma_wait3A_43 = arith.constant 0 : i32
    %dma_wait3A_44 = tpu.memref_slice %arg4[%mul3A_3, %dma_wait3A_43] : memref<64x16384xf32, #tpu.memory_space<hbm>> -> memref<1x4096xf32, #tpu.memory_space<hbm>>
    %dma_wait3A_45 = tpu.memref_squeeze %dma_wait3A_44 : memref<1x4096xf32, #tpu.memory_space<hbm>> -> memref<4096xf32, #tpu.memory_space<hbm>>
    tpu.wait_dma2 semaphore(%arg13 : memref<!tpu.dma_semaphore, #tpu.memory_space<semaphore_mem>>) src(%dma_wait3A_45 : memref<4096xf32, #tpu.memory_space<hbm>>) dst(%arg9 : memref<4096xf32, #tpu.memory_space<vmem>>)
    %parallel_loop3A = arith.constant 0 : i32
    %parallel_loop3A_46 = arith.constant 4096 : i32
    %parallel_loop3A_47 = arith.constant 128 : i32
    %parallel_loop3A_48:8 = scf.for %parallel_loop3A_233 = %parallel_loop3A to %parallel_loop3A_46 step %parallel_loop3A_47 iter_args(%parallel_loop3A_234 = %broadcast_in_dim3A_1, %parallel_loop3A_235 = %broadcast_in_dim3A_1, %parallel_loop3A_236 = %broadcast_in_dim3A_1, %parallel_loop3A_237 = %broadcast_in_dim3A_1, %parallel_loop3A_238 = %broadcast_in_dim3A_1, %parallel_loop3A_239 = %broadcast_in_dim3A_1, %parallel_loop3A_240 = %broadcast_in_dim3A_1, %parallel_loop3A_241 = %broadcast_in_dim3A_1) -> (vector<16xf32>, vector<16xf32>, vector<16xf32>, vector<16xf32>, vector<16xf32>, vector<16xf32>, vector<16xf32>, vector<16xf32>)  : i32 {
      %parallel_loop3A_242 = arith.constant 0 : i32
      %parallel_loop3A_243 = arith.addi %parallel_loop3A_233, %parallel_loop3A_242 : i32
      %parallel_loop3A_244 = arith.index_cast %parallel_loop3A_243 : i32 to index
      %parallel_loop3A_245 = tpu.vector_load %arg7[%parallel_loop3A_244] {strides = array<i32>} : memref<4096xi32, #tpu.memory_space<vmem>>, vector<16xi32>,
      %parallel_loop3A_246 = tpu.vector_load_idx %arg6[%parallel_loop3A_245] : memref<100000xf32, #tpu.memory_space<vmem>>[vector<16xi32>], vector<16xf32>,
      %parallel_loop3A_247 = arith.constant 0 : i32
      %parallel_loop3A_248 = arith.addi %parallel_loop3A_233, %parallel_loop3A_247 : i32
      %parallel_loop3A_249 = arith.index_cast %parallel_loop3A_248 : i32 to index
      %parallel_loop3A_250 = tpu.vector_load %arg9[%parallel_loop3A_249] {strides = array<i32>} : memref<4096xf32, #tpu.memory_space<vmem>>, vector<16xf32>,
      %parallel_loop3A_251 = arith.subf %parallel_loop3A_250, %parallel_loop3A_246 : vector<16xf32>
      %parallel_loop3A_252 = arith.mulf %parallel_loop3A_251, %parallel_loop3A_251 : vector<16xf32>
      %parallel_loop3A_253 = arith.addf %parallel_loop3A_234, %parallel_loop3A_252 : vector<16xf32>
      %parallel_loop3A_254 = arith.constant 16 : i32
      %parallel_loop3A_255 = arith.addi %parallel_loop3A_233, %parallel_loop3A_254 : i32
      %parallel_loop3A_256 = arith.index_cast %parallel_loop3A_255 : i32 to index
      %parallel_loop3A_257 = tpu.vector_load %arg7[%parallel_loop3A_256] {strides = array<i32>} : memref<4096xi32, #tpu.memory_space<vmem>>, vector<16xi32>,
      %parallel_loop3A_258 = tpu.vector_load_idx %arg6[%parallel_loop3A_257] : memref<100000xf32, #tpu.memory_space<vmem>>[vector<16xi32>], vector<16xf32>,
      %parallel_loop3A_259 = arith.constant 16 : i32
      %parallel_loop3A_260 = arith.addi %parallel_loop3A_233, %parallel_loop3A_259 : i32
      %parallel_loop3A_261 = arith.index_cast %parallel_loop3A_260 : i32 to index
      %parallel_loop3A_262 = tpu.vector_load %arg9[%parallel_loop3A_261] {strides = array<i32>} : memref<4096xf32, #tpu.memory_space<vmem>>, vector<16xf32>,
      %parallel_loop3A_263 = arith.subf %parallel_loop3A_262, %parallel_loop3A_258 : vector<16xf32>
      %parallel_loop3A_264 = arith.mulf %parallel_loop3A_263, %parallel_loop3A_263 : vector<16xf32>
      %parallel_loop3A_265 = arith.addf %parallel_loop3A_235, %parallel_loop3A_264 : vector<16xf32>
      %parallel_loop3A_266 = arith.constant 32 : i32
      %parallel_loop3A_267 = arith.addi %parallel_loop3A_233, %parallel_loop3A_266 : i32
      %parallel_loop3A_268 = arith.index_cast %parallel_loop3A_267 : i32 to index
      %parallel_loop3A_269 = tpu.vector_load %arg7[%parallel_loop3A_268] {strides = array<i32>} : memref<4096xi32, #tpu.memory_space<vmem>>, vector<16xi32>,
      %parallel_loop3A_270 = tpu.vector_load_idx %arg6[%parallel_loop3A_269] : memref<100000xf32, #tpu.memory_space<vmem>>[vector<16xi32>], vector<16xf32>,
      %parallel_loop3A_271 = arith.constant 32 : i32
      %parallel_loop3A_272 = arith.addi %parallel_loop3A_233, %parallel_loop3A_271 : i32
      %parallel_loop3A_273 = arith.index_cast %parallel_loop3A_272 : i32 to index
      %parallel_loop3A_274 = tpu.vector_load %arg9[%parallel_loop3A_273] {strides = array<i32>} : memref<4096xf32, #tpu.memory_space<vmem>>, vector<16xf32>,
      %parallel_loop3A_275 = arith.subf %parallel_loop3A_274, %parallel_loop3A_270 : vector<16xf32>
      %parallel_loop3A_276 = arith.mulf %parallel_loop3A_275, %parallel_loop3A_275 : vector<16xf32>
      %parallel_loop3A_277 = arith.addf %parallel_loop3A_236, %parallel_loop3A_276 : vector<16xf32>
      %parallel_loop3A_278 = arith.constant 48 : i32
      %parallel_loop3A_279 = arith.addi %parallel_loop3A_233, %parallel_loop3A_278 : i32
      %parallel_loop3A_280 = arith.index_cast %parallel_loop3A_279 : i32 to index
      %parallel_loop3A_281 = tpu.vector_load %arg7[%parallel_loop3A_280] {strides = array<i32>} : memref<4096xi32, #tpu.memory_space<vmem>>, vector<16xi32>,
      %parallel_loop3A_282 = tpu.vector_load_idx %arg6[%parallel_loop3A_281] : memref<100000xf32, #tpu.memory_space<vmem>>[vector<16xi32>], vector<16xf32>,
      %parallel_loop3A_283 = arith.constant 48 : i32
      %parallel_loop3A_284 = arith.addi %parallel_loop3A_233, %parallel_loop3A_283 : i32
      %parallel_loop3A_285 = arith.index_cast %parallel_loop3A_284 : i32 to index
      %parallel_loop3A_286 = tpu.vector_load %arg9[%parallel_loop3A_285] {strides = array<i32>} : memref<4096xf32, #tpu.memory_space<vmem>>, vector<16xf32>,
      %parallel_loop3A_287 = arith.subf %parallel_loop3A_286, %parallel_loop3A_282 : vector<16xf32>
      %parallel_loop3A_288 = arith.mulf %parallel_loop3A_287, %parallel_loop3A_287 : vector<16xf32>
      %parallel_loop3A_289 = arith.addf %parallel_loop3A_237, %parallel_loop3A_288 : vector<16xf32>
      %parallel_loop3A_290 = arith.constant 64 : i32
      %parallel_loop3A_291 = arith.addi %parallel_loop3A_233, %parallel_loop3A_290 : i32
      %parallel_loop3A_292 = arith.index_cast %parallel_loop3A_291 : i32 to index
      %parallel_loop3A_293 = tpu.vector_load %arg7[%parallel_loop3A_292] {strides = array<i32>} : memref<4096xi32, #tpu.memory_space<vmem>>, vector<16xi32>,
      %parallel_loop3A_294 = tpu.vector_load_idx %arg6[%parallel_loop3A_293] : memref<100000xf32, #tpu.memory_space<vmem>>[vector<16xi32>], vector<16xf32>,
      %parallel_loop3A_295 = arith.constant 64 : i32
      %parallel_loop3A_296 = arith.addi %parallel_loop3A_233, %parallel_loop3A_295 : i32
      %parallel_loop3A_297 = arith.index_cast %parallel_loop3A_296 : i32 to index
      %parallel_loop3A_298 = tpu.vector_load %arg9[%parallel_loop3A_297] {strides = array<i32>} : memref<4096xf32, #tpu.memory_space<vmem>>, vector<16xf32>,
      %parallel_loop3A_299 = arith.subf %parallel_loop3A_298, %parallel_loop3A_294 : vector<16xf32>
      %parallel_loop3A_300 = arith.mulf %parallel_loop3A_299, %parallel_loop3A_299 : vector<16xf32>
      %parallel_loop3A_301 = arith.addf %parallel_loop3A_238, %parallel_loop3A_300 : vector<16xf32>
      %parallel_loop3A_302 = arith.constant 80 : i32
      %parallel_loop3A_303 = arith.addi %parallel_loop3A_233, %parallel_loop3A_302 : i32
      %parallel_loop3A_304 = arith.index_cast %parallel_loop3A_303 : i32 to index
      %parallel_loop3A_305 = tpu.vector_load %arg7[%parallel_loop3A_304] {strides = array<i32>} : memref<4096xi32, #tpu.memory_space<vmem>>, vector<16xi32>,
      %parallel_loop3A_306 = tpu.vector_load_idx %arg6[%parallel_loop3A_305] : memref<100000xf32, #tpu.memory_space<vmem>>[vector<16xi32>], vector<16xf32>,
      %parallel_loop3A_307 = arith.constant 80 : i32
      %parallel_loop3A_308 = arith.addi %parallel_loop3A_233, %parallel_loop3A_307 : i32
      %parallel_loop3A_309 = arith.index_cast %parallel_loop3A_308 : i32 to index
      %parallel_loop3A_310 = tpu.vector_load %arg9[%parallel_loop3A_309] {strides = array<i32>} : memref<4096xf32, #tpu.memory_space<vmem>>, vector<16xf32>,
      %parallel_loop3A_311 = arith.subf %parallel_loop3A_310, %parallel_loop3A_306 : vector<16xf32>
      %parallel_loop3A_312 = arith.mulf %parallel_loop3A_311, %parallel_loop3A_311 : vector<16xf32>
      %parallel_loop3A_313 = arith.addf %parallel_loop3A_239, %parallel_loop3A_312 : vector<16xf32>
      %parallel_loop3A_314 = arith.constant 96 : i32
      %parallel_loop3A_315 = arith.addi %parallel_loop3A_233, %parallel_loop3A_314 : i32
      %parallel_loop3A_316 = arith.index_cast %parallel_loop3A_315 : i32 to index
      %parallel_loop3A_317 = tpu.vector_load %arg7[%parallel_loop3A_316] {strides = array<i32>} : memref<4096xi32, #tpu.memory_space<vmem>>, vector<16xi32>,
      %parallel_loop3A_318 = tpu.vector_load_idx %arg6[%parallel_loop3A_317] : memref<100000xf32, #tpu.memory_space<vmem>>[vector<16xi32>], vector<16xf32>,
      %parallel_loop3A_319 = arith.constant 96 : i32
      %parallel_loop3A_320 = arith.addi %parallel_loop3A_233, %parallel_loop3A_319 : i32
      %parallel_loop3A_321 = arith.index_cast %parallel_loop3A_320 : i32 to index
      %parallel_loop3A_322 = tpu.vector_load %arg9[%parallel_loop3A_321] {strides = array<i32>} : memref<4096xf32, #tpu.memory_space<vmem>>, vector<16xf32>,
      %parallel_loop3A_323 = arith.subf %parallel_loop3A_322, %parallel_loop3A_318 : vector<16xf32>
      %parallel_loop3A_324 = arith.mulf %parallel_loop3A_323, %parallel_loop3A_323 : vector<16xf32>
      %parallel_loop3A_325 = arith.addf %parallel_loop3A_240, %parallel_loop3A_324 : vector<16xf32>
      %parallel_loop3A_326 = arith.constant 112 : i32
      %parallel_loop3A_327 = arith.addi %parallel_loop3A_233, %parallel_loop3A_326 : i32
      %parallel_loop3A_328 = arith.index_cast %parallel_loop3A_327 : i32 to index
      %parallel_loop3A_329 = tpu.vector_load %arg7[%parallel_loop3A_328] {strides = array<i32>} : memref<4096xi32, #tpu.memory_space<vmem>>, vector<16xi32>,
      %parallel_loop3A_330 = tpu.vector_load_idx %arg6[%parallel_loop3A_329] : memref<100000xf32, #tpu.memory_space<vmem>>[vector<16xi32>], vector<16xf32>,
      %parallel_loop3A_331 = arith.constant 112 : i32
      %parallel_loop3A_332 = arith.addi %parallel_loop3A_233, %parallel_loop3A_331 : i32
      %parallel_loop3A_333 = arith.index_cast %parallel_loop3A_332 : i32 to index
      %parallel_loop3A_334 = tpu.vector_load %arg9[%parallel_loop3A_333] {strides = array<i32>} : memref<4096xf32, #tpu.memory_space<vmem>>, vector<16xf32>,
      %parallel_loop3A_335 = arith.subf %parallel_loop3A_334, %parallel_loop3A_330 : vector<16xf32>
      %parallel_loop3A_336 = arith.mulf %parallel_loop3A_335, %parallel_loop3A_335 : vector<16xf32>
      %parallel_loop3A_337 = arith.addf %parallel_loop3A_241, %parallel_loop3A_336 : vector<16xf32>
      scf.yield %parallel_loop3A_253, %parallel_loop3A_265, %parallel_loop3A_277, %parallel_loop3A_289, %parallel_loop3A_301, %parallel_loop3A_313, %parallel_loop3A_325, %parallel_loop3A_337 : vector<16xf32>, vector<16xf32>, vector<16xf32>, vector<16xf32>, vector<16xf32>, vector<16xf32>, vector<16xf32>, vector<16xf32>
    } {sc.loop_unroll_factor = 1 : i64, sc.parallel_access}
    %dma_start3A_49 = arith.constant 8192 : i32
    %dma_start3A_50 = tpu.memref_slice %arg3[%dma_start3A_49] : memref<16384xi32, #tpu.memory_space<hbm>> -> memref<4096xi32, #tpu.memory_space<hbm>>
    %dma_start3A_51 = arith.constant 8192 : i32
    %dma_start3A_52 = tpu.memref_slice %arg3[%dma_start3A_51] : memref<16384xi32, #tpu.memory_space<hbm>> -> memref<4096xi32, #tpu.memory_space<hbm>>
    tpu.enqueue_dma source(%dma_start3A_52 : memref<4096xi32, #tpu.memory_space<hbm>>) target(%arg7 : memref<4096xi32, #tpu.memory_space<vmem>>) target_semaphore(%arg13 : memref<!tpu.dma_semaphore, #tpu.memory_space<semaphore_mem>>)
    %dma_start3A_53 = arith.constant 8192 : i32
    %dma_start3A_54 = tpu.memref_slice %arg4[%add3A_20, %dma_start3A_53] : memref<64x16384xf32, #tpu.memory_space<hbm>> -> memref<1x4096xf32, #tpu.memory_space<hbm>>
    %dma_start3A_55 = tpu.memref_squeeze %dma_start3A_54 : memref<1x4096xf32, #tpu.memory_space<hbm>> -> memref<4096xf32, #tpu.memory_space<hbm>>
    %dma_start3A_56 = arith.constant 8192 : i32
    %dma_start3A_57 = tpu.memref_slice %arg4[%add3A_20, %dma_start3A_56] : memref<64x16384xf32, #tpu.memory_space<hbm>> -> memref<1x4096xf32, #tpu.memory_space<hbm>>
    %dma_start3A_58 = tpu.memref_squeeze %dma_start3A_57 : memref<1x4096xf32, #tpu.memory_space<hbm>> -> memref<4096xf32, #tpu.memory_space<hbm>>
    tpu.enqueue_dma source(%dma_start3A_58 : memref<4096xf32, #tpu.memory_space<hbm>>) target(%arg9 : memref<4096xf32, #tpu.memory_space<vmem>>) target_semaphore(%arg13 : memref<!tpu.dma_semaphore, #tpu.memory_space<semaphore_mem>>)
    %dma_wait3A_59 = arith.constant 4096 : i32
    %dma_wait3A_60 = tpu.memref_slice %arg3[%dma_wait3A_59] : memref<16384xi32, #tpu.memory_space<hbm>> -> memref<4096xi32, #tpu.memory_space<hbm>>
    %dma_wait3A_61 = arith.constant 4096 : i32
    %dma_wait3A_62 = tpu.memref_slice %arg3[%dma_wait3A_61] : memref<16384xi32, #tpu.memory_space<hbm>> -> memref<4096xi32, #tpu.memory_space<hbm>>
    tpu.wait_dma2 semaphore(%arg14 : memref<!tpu.dma_semaphore, #tpu.memory_space<semaphore_mem>>) src(%dma_wait3A_62 : memref<4096xi32, #tpu.memory_space<hbm>>) dst(%arg8 : memref<4096xi32, #tpu.memory_space<vmem>>)
    %dma_wait3A_63 = arith.constant 4096 : i32
    %dma_wait3A_64 = tpu.memref_slice %arg4[%add3A_20, %dma_wait3A_63] : memref<64x16384xf32, #tpu.memory_space<hbm>> -> memref<1x4096xf32, #tpu.memory_space<hbm>>
    %dma_wait3A_65 = tpu.memref_squeeze %dma_wait3A_64 : memref<1x4096xf32, #tpu.memory_space<hbm>> -> memref<4096xf32, #tpu.memory_space<hbm>>
    %dma_wait3A_66 = arith.constant 4096 : i32
    %dma_wait3A_67 = tpu.memref_slice %arg4[%add3A_20, %dma_wait3A_66] : memref<64x16384xf32, #tpu.memory_space<hbm>> -> memref<1x4096xf32, #tpu.memory_space<hbm>>
    %dma_wait3A_68 = tpu.memref_squeeze %dma_wait3A_67 : memref<1x4096xf32, #tpu.memory_space<hbm>> -> memref<4096xf32, #tpu.memory_space<hbm>>
    tpu.wait_dma2 semaphore(%arg14 : memref<!tpu.dma_semaphore, #tpu.memory_space<semaphore_mem>>) src(%dma_wait3A_68 : memref<4096xf32, #tpu.memory_space<hbm>>) dst(%arg10 : memref<4096xf32, #tpu.memory_space<vmem>>)
    %parallel_loop3A_69 = arith.constant 0 : i32
    %parallel_loop3A_70 = arith.constant 4096 : i32
    %parallel_loop3A_71 = arith.constant 128 : i32
    %parallel_loop3A_72:8 = scf.for %parallel_loop3A_233 = %parallel_loop3A_69 to %parallel_loop3A_70 step %parallel_loop3A_71 iter_args(%parallel_loop3A_234 = %parallel_loop3A_48#0, %parallel_loop3A_235 = %parallel_loop3A_48#1, %parallel_loop3A_236 = %parallel_loop3A_48#2, %parallel_loop3A_237 = %parallel_loop3A_48#3, %parallel_loop3A_238 = %parallel_loop3A_48#4, %parallel_loop3A_239 = %parallel_loop3A_48#5, %parallel_loop3A_240 = %parallel_loop3A_48#6, %parallel_loop3A_241 = %parallel_loop3A_48#7) -> (vector<16xf32>, vector<16xf32>, vector<16xf32>, vector<16xf32>, vector<16xf32>, vector<16xf32>, vector<16xf32>, vector<16xf32>)  : i32 {
      %parallel_loop3A_242 = arith.constant 0 : i32
      %parallel_loop3A_243 = arith.addi %parallel_loop3A_233, %parallel_loop3A_242 : i32
      %parallel_loop3A_244 = arith.index_cast %parallel_loop3A_243 : i32 to index
      %parallel_loop3A_245 = tpu.vector_load %arg8[%parallel_loop3A_244] {strides = array<i32>} : memref<4096xi32, #tpu.memory_space<vmem>>, vector<16xi32>,
      %parallel_loop3A_246 = tpu.vector_load_idx %arg6[%parallel_loop3A_245] : memref<100000xf32, #tpu.memory_space<vmem>>[vector<16xi32>], vector<16xf32>,
      %parallel_loop3A_247 = arith.constant 0 : i32
      %parallel_loop3A_248 = arith.addi %parallel_loop3A_233, %parallel_loop3A_247 : i32
      %parallel_loop3A_249 = arith.index_cast %parallel_loop3A_248 : i32 to index
      %parallel_loop3A_250 = tpu.vector_load %arg10[%parallel_loop3A_249] {strides = array<i32>} : memref<4096xf32, #tpu.memory_space<vmem>>, vector<16xf32>,
      %parallel_loop3A_251 = arith.subf %parallel_loop3A_250, %parallel_loop3A_246 : vector<16xf32>
      %parallel_loop3A_252 = arith.mulf %parallel_loop3A_251, %parallel_loop3A_251 : vector<16xf32>
      %parallel_loop3A_253 = arith.addf %parallel_loop3A_234, %parallel_loop3A_252 : vector<16xf32>
      %parallel_loop3A_254 = arith.constant 16 : i32
      %parallel_loop3A_255 = arith.addi %parallel_loop3A_233, %parallel_loop3A_254 : i32
      %parallel_loop3A_256 = arith.index_cast %parallel_loop3A_255 : i32 to index
      %parallel_loop3A_257 = tpu.vector_load %arg8[%parallel_loop3A_256] {strides = array<i32>} : memref<4096xi32, #tpu.memory_space<vmem>>, vector<16xi32>,
      %parallel_loop3A_258 = tpu.vector_load_idx %arg6[%parallel_loop3A_257] : memref<100000xf32, #tpu.memory_space<vmem>>[vector<16xi32>], vector<16xf32>,
      %parallel_loop3A_259 = arith.constant 16 : i32
      %parallel_loop3A_260 = arith.addi %parallel_loop3A_233, %parallel_loop3A_259 : i32
      %parallel_loop3A_261 = arith.index_cast %parallel_loop3A_260 : i32 to index
      %parallel_loop3A_262 = tpu.vector_load %arg10[%parallel_loop3A_261] {strides = array<i32>} : memref<4096xf32, #tpu.memory_space<vmem>>, vector<16xf32>,
      %parallel_loop3A_263 = arith.subf %parallel_loop3A_262, %parallel_loop3A_258 : vector<16xf32>
      %parallel_loop3A_264 = arith.mulf %parallel_loop3A_263, %parallel_loop3A_263 : vector<16xf32>
      %parallel_loop3A_265 = arith.addf %parallel_loop3A_235, %parallel_loop3A_264 : vector<16xf32>
      %parallel_loop3A_266 = arith.constant 32 : i32
      %parallel_loop3A_267 = arith.addi %parallel_loop3A_233, %parallel_loop3A_266 : i32
      %parallel_loop3A_268 = arith.index_cast %parallel_loop3A_267 : i32 to index
      %parallel_loop3A_269 = tpu.vector_load %arg8[%parallel_loop3A_268] {strides = array<i32>} : memref<4096xi32, #tpu.memory_space<vmem>>, vector<16xi32>,
      %parallel_loop3A_270 = tpu.vector_load_idx %arg6[%parallel_loop3A_269] : memref<100000xf32, #tpu.memory_space<vmem>>[vector<16xi32>], vector<16xf32>,
      %parallel_loop3A_271 = arith.constant 32 : i32
      %parallel_loop3A_272 = arith.addi %parallel_loop3A_233, %parallel_loop3A_271 : i32
      %parallel_loop3A_273 = arith.index_cast %parallel_loop3A_272 : i32 to index
      %parallel_loop3A_274 = tpu.vector_load %arg10[%parallel_loop3A_273] {strides = array<i32>} : memref<4096xf32, #tpu.memory_space<vmem>>, vector<16xf32>,
      %parallel_loop3A_275 = arith.subf %parallel_loop3A_274, %parallel_loop3A_270 : vector<16xf32>
      %parallel_loop3A_276 = arith.mulf %parallel_loop3A_275, %parallel_loop3A_275 : vector<16xf32>
      %parallel_loop3A_277 = arith.addf %parallel_loop3A_236, %parallel_loop3A_276 : vector<16xf32>
      %parallel_loop3A_278 = arith.constant 48 : i32
      %parallel_loop3A_279 = arith.addi %parallel_loop3A_233, %parallel_loop3A_278 : i32
      %parallel_loop3A_280 = arith.index_cast %parallel_loop3A_279 : i32 to index
      %parallel_loop3A_281 = tpu.vector_load %arg8[%parallel_loop3A_280] {strides = array<i32>} : memref<4096xi32, #tpu.memory_space<vmem>>, vector<16xi32>,
      %parallel_loop3A_282 = tpu.vector_load_idx %arg6[%parallel_loop3A_281] : memref<100000xf32, #tpu.memory_space<vmem>>[vector<16xi32>], vector<16xf32>,
      %parallel_loop3A_283 = arith.constant 48 : i32
      %parallel_loop3A_284 = arith.addi %parallel_loop3A_233, %parallel_loop3A_283 : i32
      %parallel_loop3A_285 = arith.index_cast %parallel_loop3A_284 : i32 to index
      %parallel_loop3A_286 = tpu.vector_load %arg10[%parallel_loop3A_285] {strides = array<i32>} : memref<4096xf32, #tpu.memory_space<vmem>>, vector<16xf32>,
      %parallel_loop3A_287 = arith.subf %parallel_loop3A_286, %parallel_loop3A_282 : vector<16xf32>
      %parallel_loop3A_288 = arith.mulf %parallel_loop3A_287, %parallel_loop3A_287 : vector<16xf32>
      %parallel_loop3A_289 = arith.addf %parallel_loop3A_237, %parallel_loop3A_288 : vector<16xf32>
      %parallel_loop3A_290 = arith.constant 64 : i32
      %parallel_loop3A_291 = arith.addi %parallel_loop3A_233, %parallel_loop3A_290 : i32
      %parallel_loop3A_292 = arith.index_cast %parallel_loop3A_291 : i32 to index
      %parallel_loop3A_293 = tpu.vector_load %arg8[%parallel_loop3A_292] {strides = array<i32>} : memref<4096xi32, #tpu.memory_space<vmem>>, vector<16xi32>,
      %parallel_loop3A_294 = tpu.vector_load_idx %arg6[%parallel_loop3A_293] : memref<100000xf32, #tpu.memory_space<vmem>>[vector<16xi32>], vector<16xf32>,
      %parallel_loop3A_295 = arith.constant 64 : i32
      %parallel_loop3A_296 = arith.addi %parallel_loop3A_233, %parallel_loop3A_295 : i32
      %parallel_loop3A_297 = arith.index_cast %parallel_loop3A_296 : i32 to index
      %parallel_loop3A_298 = tpu.vector_load %arg10[%parallel_loop3A_297] {strides = array<i32>} : memref<4096xf32, #tpu.memory_space<vmem>>, vector<16xf32>,
      %parallel_loop3A_299 = arith.subf %parallel_loop3A_298, %parallel_loop3A_294 : vector<16xf32>
      %parallel_loop3A_300 = arith.mulf %parallel_loop3A_299, %parallel_loop3A_299 : vector<16xf32>
      %parallel_loop3A_301 = arith.addf %parallel_loop3A_238, %parallel_loop3A_300 : vector<16xf32>
      %parallel_loop3A_302 = arith.constant 80 : i32
      %parallel_loop3A_303 = arith.addi %parallel_loop3A_233, %parallel_loop3A_302 : i32
      %parallel_loop3A_304 = arith.index_cast %parallel_loop3A_303 : i32 to index
      %parallel_loop3A_305 = tpu.vector_load %arg8[%parallel_loop3A_304] {strides = array<i32>} : memref<4096xi32, #tpu.memory_space<vmem>>, vector<16xi32>,
      %parallel_loop3A_306 = tpu.vector_load_idx %arg6[%parallel_loop3A_305] : memref<100000xf32, #tpu.memory_space<vmem>>[vector<16xi32>], vector<16xf32>,
      %parallel_loop3A_307 = arith.constant 80 : i32
      %parallel_loop3A_308 = arith.addi %parallel_loop3A_233, %parallel_loop3A_307 : i32
      %parallel_loop3A_309 = arith.index_cast %parallel_loop3A_308 : i32 to index
      %parallel_loop3A_310 = tpu.vector_load %arg10[%parallel_loop3A_309] {strides = array<i32>} : memref<4096xf32, #tpu.memory_space<vmem>>, vector<16xf32>,
      %parallel_loop3A_311 = arith.subf %parallel_loop3A_310, %parallel_loop3A_306 : vector<16xf32>
      %parallel_loop3A_312 = arith.mulf %parallel_loop3A_311, %parallel_loop3A_311 : vector<16xf32>
      %parallel_loop3A_313 = arith.addf %parallel_loop3A_239, %parallel_loop3A_312 : vector<16xf32>
      %parallel_loop3A_314 = arith.constant 96 : i32
      %parallel_loop3A_315 = arith.addi %parallel_loop3A_233, %parallel_loop3A_314 : i32
      %parallel_loop3A_316 = arith.index_cast %parallel_loop3A_315 : i32 to index
      %parallel_loop3A_317 = tpu.vector_load %arg8[%parallel_loop3A_316] {strides = array<i32>} : memref<4096xi32, #tpu.memory_space<vmem>>, vector<16xi32>,
      %parallel_loop3A_318 = tpu.vector_load_idx %arg6[%parallel_loop3A_317] : memref<100000xf32, #tpu.memory_space<vmem>>[vector<16xi32>], vector<16xf32>,
      %parallel_loop3A_319 = arith.constant 96 : i32
      %parallel_loop3A_320 = arith.addi %parallel_loop3A_233, %parallel_loop3A_319 : i32
      %parallel_loop3A_321 = arith.index_cast %parallel_loop3A_320 : i32 to index
      %parallel_loop3A_322 = tpu.vector_load %arg10[%parallel_loop3A_321] {strides = array<i32>} : memref<4096xf32, #tpu.memory_space<vmem>>, vector<16xf32>,
      %parallel_loop3A_323 = arith.subf %parallel_loop3A_322, %parallel_loop3A_318 : vector<16xf32>
      %parallel_loop3A_324 = arith.mulf %parallel_loop3A_323, %parallel_loop3A_323 : vector<16xf32>
      %parallel_loop3A_325 = arith.addf %parallel_loop3A_240, %parallel_loop3A_324 : vector<16xf32>
      %parallel_loop3A_326 = arith.constant 112 : i32
      %parallel_loop3A_327 = arith.addi %parallel_loop3A_233, %parallel_loop3A_326 : i32
      %parallel_loop3A_328 = arith.index_cast %parallel_loop3A_327 : i32 to index
      %parallel_loop3A_329 = tpu.vector_load %arg8[%parallel_loop3A_328] {strides = array<i32>} : memref<4096xi32, #tpu.memory_space<vmem>>, vector<16xi32>,
      %parallel_loop3A_330 = tpu.vector_load_idx %arg6[%parallel_loop3A_329] : memref<100000xf32, #tpu.memory_space<vmem>>[vector<16xi32>], vector<16xf32>,
      %parallel_loop3A_331 = arith.constant 112 : i32
      %parallel_loop3A_332 = arith.addi %parallel_loop3A_233, %parallel_loop3A_331 : i32
      %parallel_loop3A_333 = arith.index_cast %parallel_loop3A_332 : i32 to index
      %parallel_loop3A_334 = tpu.vector_load %arg10[%parallel_loop3A_333] {strides = array<i32>} : memref<4096xf32, #tpu.memory_space<vmem>>, vector<16xf32>,
      %parallel_loop3A_335 = arith.subf %parallel_loop3A_334, %parallel_loop3A_330 : vector<16xf32>
      %parallel_loop3A_336 = arith.mulf %parallel_loop3A_335, %parallel_loop3A_335 : vector<16xf32>
      %parallel_loop3A_337 = arith.addf %parallel_loop3A_241, %parallel_loop3A_336 : vector<16xf32>
      scf.yield %parallel_loop3A_253, %parallel_loop3A_265, %parallel_loop3A_277, %parallel_loop3A_289, %parallel_loop3A_301, %parallel_loop3A_313, %parallel_loop3A_325, %parallel_loop3A_337 : vector<16xf32>, vector<16xf32>, vector<16xf32>, vector<16xf32>, vector<16xf32>, vector<16xf32>, vector<16xf32>, vector<16xf32>
    } {sc.loop_unroll_factor = 1 : i64, sc.parallel_access}
    %dma_start3A_73 = arith.constant 12288 : i32
    %dma_start3A_74 = tpu.memref_slice %arg3[%dma_start3A_73] : memref<16384xi32, #tpu.memory_space<hbm>> -> memref<4096xi32, #tpu.memory_space<hbm>>
    %dma_start3A_75 = arith.constant 12288 : i32
    %dma_start3A_76 = tpu.memref_slice %arg3[%dma_start3A_75] : memref<16384xi32, #tpu.memory_space<hbm>> -> memref<4096xi32, #tpu.memory_space<hbm>>
    tpu.enqueue_dma source(%dma_start3A_76 : memref<4096xi32, #tpu.memory_space<hbm>>) target(%arg8 : memref<4096xi32, #tpu.memory_space<vmem>>) target_semaphore(%arg14 : memref<!tpu.dma_semaphore, #tpu.memory_space<semaphore_mem>>)
    %dma_start3A_77 = arith.constant 12288 : i32
    %dma_start3A_78 = tpu.memref_slice %arg4[%add3A_20, %dma_start3A_77] : memref<64x16384xf32, #tpu.memory_space<hbm>> -> memref<1x4096xf32, #tpu.memory_space<hbm>>
    %dma_start3A_79 = tpu.memref_squeeze %dma_start3A_78 : memref<1x4096xf32, #tpu.memory_space<hbm>> -> memref<4096xf32, #tpu.memory_space<hbm>>
    %dma_start3A_80 = arith.constant 12288 : i32
    %dma_start3A_81 = tpu.memref_slice %arg4[%add3A_20, %dma_start3A_80] : memref<64x16384xf32, #tpu.memory_space<hbm>> -> memref<1x4096xf32, #tpu.memory_space<hbm>>
    %dma_start3A_82 = tpu.memref_squeeze %dma_start3A_81 : memref<1x4096xf32, #tpu.memory_space<hbm>> -> memref<4096xf32, #tpu.memory_space<hbm>>
    tpu.enqueue_dma source(%dma_start3A_82 : memref<4096xf32, #tpu.memory_space<hbm>>) target(%arg10 : memref<4096xf32, #tpu.memory_space<vmem>>) target_semaphore(%arg14 : memref<!tpu.dma_semaphore, #tpu.memory_space<semaphore_mem>>)
    %dma_wait3A_83 = arith.constant 8192 : i32
    %dma_wait3A_84 = tpu.memref_slice %arg3[%dma_wait3A_83] : memref<16384xi32, #tpu.memory_space<hbm>> -> memref<4096xi32, #tpu.memory_space<hbm>>
    %dma_wait3A_85 = arith.constant 8192 : i32
    %dma_wait3A_86 = tpu.memref_slice %arg3[%dma_wait3A_85] : memref<16384xi32, #tpu.memory_space<hbm>> -> memref<4096xi32, #tpu.memory_space<hbm>>
    tpu.wait_dma2 semaphore(%arg13 : memref<!tpu.dma_semaphore, #tpu.memory_space<semaphore_mem>>) src(%dma_wait3A_86 : memref<4096xi32, #tpu.memory_space<hbm>>) dst(%arg7 : memref<4096xi32, #tpu.memory_space<vmem>>)
    %dma_wait3A_87 = arith.constant 8192 : i32
    %dma_wait3A_88 = tpu.memref_slice %arg4[%add3A_20, %dma_wait3A_87] : memref<64x16384xf32, #tpu.memory_space<hbm>> -> memref<1x4096xf32, #tpu.memory_space<hbm>>
    %dma_wait3A_89 = tpu.memref_squeeze %dma_wait3A_88 : memref<1x4096xf32, #tpu.memory_space<hbm>> -> memref<4096xf32, #tpu.memory_space<hbm>>
    %dma_wait3A_90 = arith.constant 8192 : i32
    %dma_wait3A_91 = tpu.memref_slice %arg4[%add3A_20, %dma_wait3A_90] : memref<64x16384xf32, #tpu.memory_space<hbm>> -> memref<1x4096xf32, #tpu.memory_space<hbm>>
    %dma_wait3A_92 = tpu.memref_squeeze %dma_wait3A_91 : memref<1x4096xf32, #tpu.memory_space<hbm>> -> memref<4096xf32, #tpu.memory_space<hbm>>
    tpu.wait_dma2 semaphore(%arg13 : memref<!tpu.dma_semaphore, #tpu.memory_space<semaphore_mem>>) src(%dma_wait3A_92 : memref<4096xf32, #tpu.memory_space<hbm>>) dst(%arg9 : memref<4096xf32, #tpu.memory_space<vmem>>)
    %parallel_loop3A_93 = arith.constant 0 : i32
    %parallel_loop3A_94 = arith.constant 4096 : i32
    %parallel_loop3A_95 = arith.constant 128 : i32
    %parallel_loop3A_96:8 = scf.for %parallel_loop3A_233 = %parallel_loop3A_93 to %parallel_loop3A_94 step %parallel_loop3A_95 iter_args(%parallel_loop3A_234 = %parallel_loop3A_72#0, %parallel_loop3A_235 = %parallel_loop3A_72#1, %parallel_loop3A_236 = %parallel_loop3A_72#2, %parallel_loop3A_237 = %parallel_loop3A_72#3, %parallel_loop3A_238 = %parallel_loop3A_72#4, %parallel_loop3A_239 = %parallel_loop3A_72#5, %parallel_loop3A_240 = %parallel_loop3A_72#6, %parallel_loop3A_241 = %parallel_loop3A_72#7) -> (vector<16xf32>, vector<16xf32>, vector<16xf32>, vector<16xf32>, vector<16xf32>, vector<16xf32>, vector<16xf32>, vector<16xf32>)  : i32 {
      %parallel_loop3A_242 = arith.constant 0 : i32
      %parallel_loop3A_243 = arith.addi %parallel_loop3A_233, %parallel_loop3A_242 : i32
      %parallel_loop3A_244 = arith.index_cast %parallel_loop3A_243 : i32 to index
      %parallel_loop3A_245 = tpu.vector_load %arg7[%parallel_loop3A_244] {strides = array<i32>} : memref<4096xi32, #tpu.memory_space<vmem>>, vector<16xi32>,
      %parallel_loop3A_246 = tpu.vector_load_idx %arg6[%parallel_loop3A_245] : memref<100000xf32, #tpu.memory_space<vmem>>[vector<16xi32>], vector<16xf32>,
      %parallel_loop3A_247 = arith.constant 0 : i32
      %parallel_loop3A_248 = arith.addi %parallel_loop3A_233, %parallel_loop3A_247 : i32
      %parallel_loop3A_249 = arith.index_cast %parallel_loop3A_248 : i32 to index
      %parallel_loop3A_250 = tpu.vector_load %arg9[%parallel_loop3A_249] {strides = array<i32>} : memref<4096xf32, #tpu.memory_space<vmem>>, vector<16xf32>,
      %parallel_loop3A_251 = arith.subf %parallel_loop3A_250, %parallel_loop3A_246 : vector<16xf32>
      %parallel_loop3A_252 = arith.mulf %parallel_loop3A_251, %parallel_loop3A_251 : vector<16xf32>
      %parallel_loop3A_253 = arith.addf %parallel_loop3A_234, %parallel_loop3A_252 : vector<16xf32>
      %parallel_loop3A_254 = arith.constant 16 : i32
      %parallel_loop3A_255 = arith.addi %parallel_loop3A_233, %parallel_loop3A_254 : i32
      %parallel_loop3A_256 = arith.index_cast %parallel_loop3A_255 : i32 to index
      %parallel_loop3A_257 = tpu.vector_load %arg7[%parallel_loop3A_256] {strides = array<i32>} : memref<4096xi32, #tpu.memory_space<vmem>>, vector<16xi32>,
      %parallel_loop3A_258 = tpu.vector_load_idx %arg6[%parallel_loop3A_257] : memref<100000xf32, #tpu.memory_space<vmem>>[vector<16xi32>], vector<16xf32>,
      %parallel_loop3A_259 = arith.constant 16 : i32
      %parallel_loop3A_260 = arith.addi %parallel_loop3A_233, %parallel_loop3A_259 : i32
      %parallel_loop3A_261 = arith.index_cast %parallel_loop3A_260 : i32 to index
      %parallel_loop3A_262 = tpu.vector_load %arg9[%parallel_loop3A_261] {strides = array<i32>} : memref<4096xf32, #tpu.memory_space<vmem>>, vector<16xf32>,
      %parallel_loop3A_263 = arith.subf %parallel_loop3A_262, %parallel_loop3A_258 : vector<16xf32>
      %parallel_loop3A_264 = arith.mulf %parallel_loop3A_263, %parallel_loop3A_263 : vector<16xf32>
      %parallel_loop3A_265 = arith.addf %parallel_loop3A_235, %parallel_loop3A_264 : vector<16xf32>
      %parallel_loop3A_266 = arith.constant 32 : i32
      %parallel_loop3A_267 = arith.addi %parallel_loop3A_233, %parallel_loop3A_266 : i32
      %parallel_loop3A_268 = arith.index_cast %parallel_loop3A_267 : i32 to index
      %parallel_loop3A_269 = tpu.vector_load %arg7[%parallel_loop3A_268] {strides = array<i32>} : memref<4096xi32, #tpu.memory_space<vmem>>, vector<16xi32>,
      %parallel_loop3A_270 = tpu.vector_load_idx %arg6[%parallel_loop3A_269] : memref<100000xf32, #tpu.memory_space<vmem>>[vector<16xi32>], vector<16xf32>,
      %parallel_loop3A_271 = arith.constant 32 : i32
      %parallel_loop3A_272 = arith.addi %parallel_loop3A_233, %parallel_loop3A_271 : i32
      %parallel_loop3A_273 = arith.index_cast %parallel_loop3A_272 : i32 to index
      %parallel_loop3A_274 = tpu.vector_load %arg9[%parallel_loop3A_273] {strides = array<i32>} : memref<4096xf32, #tpu.memory_space<vmem>>, vector<16xf32>,
      %parallel_loop3A_275 = arith.subf %parallel_loop3A_274, %parallel_loop3A_270 : vector<16xf32>
      %parallel_loop3A_276 = arith.mulf %parallel_loop3A_275, %parallel_loop3A_275 : vector<16xf32>
      %parallel_loop3A_277 = arith.addf %parallel_loop3A_236, %parallel_loop3A_276 : vector<16xf32>
      %parallel_loop3A_278 = arith.constant 48 : i32
      %parallel_loop3A_279 = arith.addi %parallel_loop3A_233, %parallel_loop3A_278 : i32
      %parallel_loop3A_280 = arith.index_cast %parallel_loop3A_279 : i32 to index
      %parallel_loop3A_281 = tpu.vector_load %arg7[%parallel_loop3A_280] {strides = array<i32>} : memref<4096xi32, #tpu.memory_space<vmem>>, vector<16xi32>,
      %parallel_loop3A_282 = tpu.vector_load_idx %arg6[%parallel_loop3A_281] : memref<100000xf32, #tpu.memory_space<vmem>>[vector<16xi32>], vector<16xf32>,
      %parallel_loop3A_283 = arith.constant 48 : i32
      %parallel_loop3A_284 = arith.addi %parallel_loop3A_233, %parallel_loop3A_283 : i32
      %parallel_loop3A_285 = arith.index_cast %parallel_loop3A_284 : i32 to index
      %parallel_loop3A_286 = tpu.vector_load %arg9[%parallel_loop3A_285] {strides = array<i32>} : memref<4096xf32, #tpu.memory_space<vmem>>, vector<16xf32>,
      %parallel_loop3A_287 = arith.subf %parallel_loop3A_286, %parallel_loop3A_282 : vector<16xf32>
      %parallel_loop3A_288 = arith.mulf %parallel_loop3A_287, %parallel_loop3A_287 : vector<16xf32>
      %parallel_loop3A_289 = arith.addf %parallel_loop3A_237, %parallel_loop3A_288 : vector<16xf32>
      %parallel_loop3A_290 = arith.constant 64 : i32
      %parallel_loop3A_291 = arith.addi %parallel_loop3A_233, %parallel_loop3A_290 : i32
      %parallel_loop3A_292 = arith.index_cast %parallel_loop3A_291 : i32 to index
      %parallel_loop3A_293 = tpu.vector_load %arg7[%parallel_loop3A_292] {strides = array<i32>} : memref<4096xi32, #tpu.memory_space<vmem>>, vector<16xi32>,
      %parallel_loop3A_294 = tpu.vector_load_idx %arg6[%parallel_loop3A_293] : memref<100000xf32, #tpu.memory_space<vmem>>[vector<16xi32>], vector<16xf32>,
      %parallel_loop3A_295 = arith.constant 64 : i32
      %parallel_loop3A_296 = arith.addi %parallel_loop3A_233, %parallel_loop3A_295 : i32
      %parallel_loop3A_297 = arith.index_cast %parallel_loop3A_296 : i32 to index
      %parallel_loop3A_298 = tpu.vector_load %arg9[%parallel_loop3A_297] {strides = array<i32>} : memref<4096xf32, #tpu.memory_space<vmem>>, vector<16xf32>,
      %parallel_loop3A_299 = arith.subf %parallel_loop3A_298, %parallel_loop3A_294 : vector<16xf32>
      %parallel_loop3A_300 = arith.mulf %parallel_loop3A_299, %parallel_loop3A_299 : vector<16xf32>
      %parallel_loop3A_301 = arith.addf %parallel_loop3A_238, %parallel_loop3A_300 : vector<16xf32>
      %parallel_loop3A_302 = arith.constant 80 : i32
      %parallel_loop3A_303 = arith.addi %parallel_loop3A_233, %parallel_loop3A_302 : i32
      %parallel_loop3A_304 = arith.index_cast %parallel_loop3A_303 : i32 to index
      %parallel_loop3A_305 = tpu.vector_load %arg7[%parallel_loop3A_304] {strides = array<i32>} : memref<4096xi32, #tpu.memory_space<vmem>>, vector<16xi32>,
      %parallel_loop3A_306 = tpu.vector_load_idx %arg6[%parallel_loop3A_305] : memref<100000xf32, #tpu.memory_space<vmem>>[vector<16xi32>], vector<16xf32>,
      %parallel_loop3A_307 = arith.constant 80 : i32
      %parallel_loop3A_308 = arith.addi %parallel_loop3A_233, %parallel_loop3A_307 : i32
      %parallel_loop3A_309 = arith.index_cast %parallel_loop3A_308 : i32 to index
      %parallel_loop3A_310 = tpu.vector_load %arg9[%parallel_loop3A_309] {strides = array<i32>} : memref<4096xf32, #tpu.memory_space<vmem>>, vector<16xf32>,
      %parallel_loop3A_311 = arith.subf %parallel_loop3A_310, %parallel_loop3A_306 : vector<16xf32>
      %parallel_loop3A_312 = arith.mulf %parallel_loop3A_311, %parallel_loop3A_311 : vector<16xf32>
      %parallel_loop3A_313 = arith.addf %parallel_loop3A_239, %parallel_loop3A_312 : vector<16xf32>
      %parallel_loop3A_314 = arith.constant 96 : i32
      %parallel_loop3A_315 = arith.addi %parallel_loop3A_233, %parallel_loop3A_314 : i32
      %parallel_loop3A_316 = arith.index_cast %parallel_loop3A_315 : i32 to index
      %parallel_loop3A_317 = tpu.vector_load %arg7[%parallel_loop3A_316] {strides = array<i32>} : memref<4096xi32, #tpu.memory_space<vmem>>, vector<16xi32>,
      %parallel_loop3A_318 = tpu.vector_load_idx %arg6[%parallel_loop3A_317] : memref<100000xf32, #tpu.memory_space<vmem>>[vector<16xi32>], vector<16xf32>,
      %parallel_loop3A_319 = arith.constant 96 : i32
      %parallel_loop3A_320 = arith.addi %parallel_loop3A_233, %parallel_loop3A_319 : i32
      %parallel_loop3A_321 = arith.index_cast %parallel_loop3A_320 : i32 to index
      %parallel_loop3A_322 = tpu.vector_load %arg9[%parallel_loop3A_321] {strides = array<i32>} : memref<4096xf32, #tpu.memory_space<vmem>>, vector<16xf32>,
      %parallel_loop3A_323 = arith.subf %parallel_loop3A_322, %parallel_loop3A_318 : vector<16xf32>
      %parallel_loop3A_324 = arith.mulf %parallel_loop3A_323, %parallel_loop3A_323 : vector<16xf32>
      %parallel_loop3A_325 = arith.addf %parallel_loop3A_240, %parallel_loop3A_324 : vector<16xf32>
      %parallel_loop3A_326 = arith.constant 112 : i32
      %parallel_loop3A_327 = arith.addi %parallel_loop3A_233, %parallel_loop3A_326 : i32
      %parallel_loop3A_328 = arith.index_cast %parallel_loop3A_327 : i32 to index
      %parallel_loop3A_329 = tpu.vector_load %arg7[%parallel_loop3A_328] {strides = array<i32>} : memref<4096xi32, #tpu.memory_space<vmem>>, vector<16xi32>,
      %parallel_loop3A_330 = tpu.vector_load_idx %arg6[%parallel_loop3A_329] : memref<100000xf32, #tpu.memory_space<vmem>>[vector<16xi32>], vector<16xf32>,
      %parallel_loop3A_331 = arith.constant 112 : i32
      %parallel_loop3A_332 = arith.addi %parallel_loop3A_233, %parallel_loop3A_331 : i32
      %parallel_loop3A_333 = arith.index_cast %parallel_loop3A_332 : i32 to index
      %parallel_loop3A_334 = tpu.vector_load %arg9[%parallel_loop3A_333] {strides = array<i32>} : memref<4096xf32, #tpu.memory_space<vmem>>, vector<16xf32>,
      %parallel_loop3A_335 = arith.subf %parallel_loop3A_334, %parallel_loop3A_330 : vector<16xf32>
      %parallel_loop3A_336 = arith.mulf %parallel_loop3A_335, %parallel_loop3A_335 : vector<16xf32>
      %parallel_loop3A_337 = arith.addf %parallel_loop3A_241, %parallel_loop3A_336 : vector<16xf32>
      scf.yield %parallel_loop3A_253, %parallel_loop3A_265, %parallel_loop3A_277, %parallel_loop3A_289, %parallel_loop3A_301, %parallel_loop3A_313, %parallel_loop3A_325, %parallel_loop3A_337 : vector<16xf32>, vector<16xf32>, vector<16xf32>, vector<16xf32>, vector<16xf32>, vector<16xf32>, vector<16xf32>, vector<16xf32>
    } {sc.loop_unroll_factor = 1 : i64, sc.parallel_access}
    %add3A_97 = arith.constant 1 : i32
    %add3A_98 = arith.addi %add3A_20, %add3A_97 : i32
    %dma_start3A_99 = arith.constant 0 : i32
    %dma_start3A_100 = tpu.memref_slice %arg3[%dma_start3A_99] : memref<16384xi32, #tpu.memory_space<hbm>> -> memref<4096xi32, #tpu.memory_space<hbm>>
    %dma_start3A_101 = arith.constant 0 : i32
    %dma_start3A_102 = tpu.memref_slice %arg3[%dma_start3A_101] : memref<16384xi32, #tpu.memory_space<hbm>> -> memref<4096xi32, #tpu.memory_space<hbm>>
    tpu.enqueue_dma source(%dma_start3A_102 : memref<4096xi32, #tpu.memory_space<hbm>>) target(%arg7 : memref<4096xi32, #tpu.memory_space<vmem>>) target_semaphore(%arg13 : memref<!tpu.dma_semaphore, #tpu.memory_space<semaphore_mem>>)
    %dma_start3A_103 = arith.constant 0 : i32
    %dma_start3A_104 = tpu.memref_slice %arg4[%add3A_98, %dma_start3A_103] : memref<64x16384xf32, #tpu.memory_space<hbm>> -> memref<1x4096xf32, #tpu.memory_space<hbm>>
    %dma_start3A_105 = tpu.memref_squeeze %dma_start3A_104 : memref<1x4096xf32, #tpu.memory_space<hbm>> -> memref<4096xf32, #tpu.memory_space<hbm>>
    %dma_start3A_106 = arith.constant 0 : i32
    %dma_start3A_107 = tpu.memref_slice %arg4[%add3A_98, %dma_start3A_106] : memref<64x16384xf32, #tpu.memory_space<hbm>> -> memref<1x4096xf32, #tpu.memory_space<hbm>>
    %dma_start3A_108 = tpu.memref_squeeze %dma_start3A_107 : memref<1x4096xf32, #tpu.memory_space<hbm>> -> memref<4096xf32, #tpu.memory_space<hbm>>
    tpu.enqueue_dma source(%dma_start3A_108 : memref<4096xf32, #tpu.memory_space<hbm>>) target(%arg9 : memref<4096xf32, #tpu.memory_space<vmem>>) target_semaphore(%arg13 : memref<!tpu.dma_semaphore, #tpu.memory_space<semaphore_mem>>)
    %dma_wait3A_109 = arith.constant 12288 : i32
    %dma_wait3A_110 = tpu.memref_slice %arg3[%dma_wait3A_109] : memref<16384xi32, #tpu.memory_space<hbm>> -> memref<4096xi32, #tpu.memory_space<hbm>>
    %dma_wait3A_111 = arith.constant 12288 : i32
    %dma_wait3A_112 = tpu.memref_slice %arg3[%dma_wait3A_111] : memref<16384xi32, #tpu.memory_space<hbm>> -> memref<4096xi32, #tpu.memory_space<hbm>>
    tpu.wait_dma2 semaphore(%arg14 : memref<!tpu.dma_semaphore, #tpu.memory_space<semaphore_mem>>) src(%dma_wait3A_112 : memref<4096xi32, #tpu.memory_space<hbm>>) dst(%arg8 : memref<4096xi32, #tpu.memory_space<vmem>>)
    %dma_wait3A_113 = arith.constant 12288 : i32
    %dma_wait3A_114 = tpu.memref_slice %arg4[%add3A_20, %dma_wait3A_113] : memref<64x16384xf32, #tpu.memory_space<hbm>> -> memref<1x4096xf32, #tpu.memory_space<hbm>>
    %dma_wait3A_115 = tpu.memref_squeeze %dma_wait3A_114 : memref<1x4096xf32, #tpu.memory_space<hbm>> -> memref<4096xf32, #tpu.memory_space<hbm>>
    %dma_wait3A_116 = arith.constant 12288 : i32
    %dma_wait3A_117 = tpu.memref_slice %arg4[%add3A_20, %dma_wait3A_116] : memref<64x16384xf32, #tpu.memory_space<hbm>> -> memref<1x4096xf32, #tpu.memory_space<hbm>>
    %dma_wait3A_118 = tpu.memref_squeeze %dma_wait3A_117 : memref<1x4096xf32, #tpu.memory_space<hbm>> -> memref<4096xf32, #tpu.memory_space<hbm>>
    tpu.wait_dma2 semaphore(%arg14 : memref<!tpu.dma_semaphore, #tpu.memory_space<semaphore_mem>>) src(%dma_wait3A_118 : memref<4096xf32, #tpu.memory_space<hbm>>) dst(%arg10 : memref<4096xf32, #tpu.memory_space<vmem>>)
    %parallel_loop3A_119 = arith.constant 0 : i32
    %parallel_loop3A_120 = arith.constant 4096 : i32
    %parallel_loop3A_121 = arith.constant 128 : i32
    %parallel_loop3A_122:8 = scf.for %parallel_loop3A_233 = %parallel_loop3A_119 to %parallel_loop3A_120 step %parallel_loop3A_121 iter_args(%parallel_loop3A_234 = %parallel_loop3A_96#0, %parallel_loop3A_235 = %parallel_loop3A_96#1, %parallel_loop3A_236 = %parallel_loop3A_96#2, %parallel_loop3A_237 = %parallel_loop3A_96#3, %parallel_loop3A_238 = %parallel_loop3A_96#4, %parallel_loop3A_239 = %parallel_loop3A_96#5, %parallel_loop3A_240 = %parallel_loop3A_96#6, %parallel_loop3A_241 = %parallel_loop3A_96#7) -> (vector<16xf32>, vector<16xf32>, vector<16xf32>, vector<16xf32>, vector<16xf32>, vector<16xf32>, vector<16xf32>, vector<16xf32>)  : i32 {
      %parallel_loop3A_242 = arith.constant 0 : i32
      %parallel_loop3A_243 = arith.addi %parallel_loop3A_233, %parallel_loop3A_242 : i32
      %parallel_loop3A_244 = arith.index_cast %parallel_loop3A_243 : i32 to index
      %parallel_loop3A_245 = tpu.vector_load %arg8[%parallel_loop3A_244] {strides = array<i32>} : memref<4096xi32, #tpu.memory_space<vmem>>, vector<16xi32>,
      %parallel_loop3A_246 = tpu.vector_load_idx %arg6[%parallel_loop3A_245] : memref<100000xf32, #tpu.memory_space<vmem>>[vector<16xi32>], vector<16xf32>,
      %parallel_loop3A_247 = arith.constant 0 : i32
      %parallel_loop3A_248 = arith.addi %parallel_loop3A_233, %parallel_loop3A_247 : i32
      %parallel_loop3A_249 = arith.index_cast %parallel_loop3A_248 : i32 to index
      %parallel_loop3A_250 = tpu.vector_load %arg10[%parallel_loop3A_249] {strides = array<i32>} : memref<4096xf32, #tpu.memory_space<vmem>>, vector<16xf32>,
      %parallel_loop3A_251 = arith.subf %parallel_loop3A_250, %parallel_loop3A_246 : vector<16xf32>
      %parallel_loop3A_252 = arith.mulf %parallel_loop3A_251, %parallel_loop3A_251 : vector<16xf32>
      %parallel_loop3A_253 = arith.addf %parallel_loop3A_234, %parallel_loop3A_252 : vector<16xf32>
      %parallel_loop3A_254 = arith.constant 16 : i32
      %parallel_loop3A_255 = arith.addi %parallel_loop3A_233, %parallel_loop3A_254 : i32
      %parallel_loop3A_256 = arith.index_cast %parallel_loop3A_255 : i32 to index
      %parallel_loop3A_257 = tpu.vector_load %arg8[%parallel_loop3A_256] {strides = array<i32>} : memref<4096xi32, #tpu.memory_space<vmem>>, vector<16xi32>,
      %parallel_loop3A_258 = tpu.vector_load_idx %arg6[%parallel_loop3A_257] : memref<100000xf32, #tpu.memory_space<vmem>>[vector<16xi32>], vector<16xf32>,
      %parallel_loop3A_259 = arith.constant 16 : i32
      %parallel_loop3A_260 = arith.addi %parallel_loop3A_233, %parallel_loop3A_259 : i32
      %parallel_loop3A_261 = arith.index_cast %parallel_loop3A_260 : i32 to index
      %parallel_loop3A_262 = tpu.vector_load %arg10[%parallel_loop3A_261] {strides = array<i32>} : memref<4096xf32, #tpu.memory_space<vmem>>, vector<16xf32>,
      %parallel_loop3A_263 = arith.subf %parallel_loop3A_262, %parallel_loop3A_258 : vector<16xf32>
      %parallel_loop3A_264 = arith.mulf %parallel_loop3A_263, %parallel_loop3A_263 : vector<16xf32>
      %parallel_loop3A_265 = arith.addf %parallel_loop3A_235, %parallel_loop3A_264 : vector<16xf32>
      %parallel_loop3A_266 = arith.constant 32 : i32
      %parallel_loop3A_267 = arith.addi %parallel_loop3A_233, %parallel_loop3A_266 : i32
      %parallel_loop3A_268 = arith.index_cast %parallel_loop3A_267 : i32 to index
      %parallel_loop3A_269 = tpu.vector_load %arg8[%parallel_loop3A_268] {strides = array<i32>} : memref<4096xi32, #tpu.memory_space<vmem>>, vector<16xi32>,
      %parallel_loop3A_270 = tpu.vector_load_idx %arg6[%parallel_loop3A_269] : memref<100000xf32, #tpu.memory_space<vmem>>[vector<16xi32>], vector<16xf32>,
      %parallel_loop3A_271 = arith.constant 32 : i32
      %parallel_loop3A_272 = arith.addi %parallel_loop3A_233, %parallel_loop3A_271 : i32
      %parallel_loop3A_273 = arith.index_cast %parallel_loop3A_272 : i32 to index
      %parallel_loop3A_274 = tpu.vector_load %arg10[%parallel_loop3A_273] {strides = array<i32>} : memref<4096xf32, #tpu.memory_space<vmem>>, vector<16xf32>,
      %parallel_loop3A_275 = arith.subf %parallel_loop3A_274, %parallel_loop3A_270 : vector<16xf32>
      %parallel_loop3A_276 = arith.mulf %parallel_loop3A_275, %parallel_loop3A_275 : vector<16xf32>
      %parallel_loop3A_277 = arith.addf %parallel_loop3A_236, %parallel_loop3A_276 : vector<16xf32>
      %parallel_loop3A_278 = arith.constant 48 : i32
      %parallel_loop3A_279 = arith.addi %parallel_loop3A_233, %parallel_loop3A_278 : i32
      %parallel_loop3A_280 = arith.index_cast %parallel_loop3A_279 : i32 to index
      %parallel_loop3A_281 = tpu.vector_load %arg8[%parallel_loop3A_280] {strides = array<i32>} : memref<4096xi32, #tpu.memory_space<vmem>>, vector<16xi32>,
      %parallel_loop3A_282 = tpu.vector_load_idx %arg6[%parallel_loop3A_281] : memref<100000xf32, #tpu.memory_space<vmem>>[vector<16xi32>], vector<16xf32>,
      %parallel_loop3A_283 = arith.constant 48 : i32
      %parallel_loop3A_284 = arith.addi %parallel_loop3A_233, %parallel_loop3A_283 : i32
      %parallel_loop3A_285 = arith.index_cast %parallel_loop3A_284 : i32 to index
      %parallel_loop3A_286 = tpu.vector_load %arg10[%parallel_loop3A_285] {strides = array<i32>} : memref<4096xf32, #tpu.memory_space<vmem>>, vector<16xf32>,
      %parallel_loop3A_287 = arith.subf %parallel_loop3A_286, %parallel_loop3A_282 : vector<16xf32>
      %parallel_loop3A_288 = arith.mulf %parallel_loop3A_287, %parallel_loop3A_287 : vector<16xf32>
      %parallel_loop3A_289 = arith.addf %parallel_loop3A_237, %parallel_loop3A_288 : vector<16xf32>
      %parallel_loop3A_290 = arith.constant 64 : i32
      %parallel_loop3A_291 = arith.addi %parallel_loop3A_233, %parallel_loop3A_290 : i32
      %parallel_loop3A_292 = arith.index_cast %parallel_loop3A_291 : i32 to index
      %parallel_loop3A_293 = tpu.vector_load %arg8[%parallel_loop3A_292] {strides = array<i32>} : memref<4096xi32, #tpu.memory_space<vmem>>, vector<16xi32>,
      %parallel_loop3A_294 = tpu.vector_load_idx %arg6[%parallel_loop3A_293] : memref<100000xf32, #tpu.memory_space<vmem>>[vector<16xi32>], vector<16xf32>,
      %parallel_loop3A_295 = arith.constant 64 : i32
      %parallel_loop3A_296 = arith.addi %parallel_loop3A_233, %parallel_loop3A_295 : i32
      %parallel_loop3A_297 = arith.index_cast %parallel_loop3A_296 : i32 to index
      %parallel_loop3A_298 = tpu.vector_load %arg10[%parallel_loop3A_297] {strides = array<i32>} : memref<4096xf32, #tpu.memory_space<vmem>>, vector<16xf32>,
      %parallel_loop3A_299 = arith.subf %parallel_loop3A_298, %parallel_loop3A_294 : vector<16xf32>
      %parallel_loop3A_300 = arith.mulf %parallel_loop3A_299, %parallel_loop3A_299 : vector<16xf32>
      %parallel_loop3A_301 = arith.addf %parallel_loop3A_238, %parallel_loop3A_300 : vector<16xf32>
      %parallel_loop3A_302 = arith.constant 80 : i32
      %parallel_loop3A_303 = arith.addi %parallel_loop3A_233, %parallel_loop3A_302 : i32
      %parallel_loop3A_304 = arith.index_cast %parallel_loop3A_303 : i32 to index
      %parallel_loop3A_305 = tpu.vector_load %arg8[%parallel_loop3A_304] {strides = array<i32>} : memref<4096xi32, #tpu.memory_space<vmem>>, vector<16xi32>,
      %parallel_loop3A_306 = tpu.vector_load_idx %arg6[%parallel_loop3A_305] : memref<100000xf32, #tpu.memory_space<vmem>>[vector<16xi32>], vector<16xf32>,
      %parallel_loop3A_307 = arith.constant 80 : i32
      %parallel_loop3A_308 = arith.addi %parallel_loop3A_233, %parallel_loop3A_307 : i32
      %parallel_loop3A_309 = arith.index_cast %parallel_loop3A_308 : i32 to index
      %parallel_loop3A_310 = tpu.vector_load %arg10[%parallel_loop3A_309] {strides = array<i32>} : memref<4096xf32, #tpu.memory_space<vmem>>, vector<16xf32>,
      %parallel_loop3A_311 = arith.subf %parallel_loop3A_310, %parallel_loop3A_306 : vector<16xf32>
      %parallel_loop3A_312 = arith.mulf %parallel_loop3A_311, %parallel_loop3A_311 : vector<16xf32>
      %parallel_loop3A_313 = arith.addf %parallel_loop3A_239, %parallel_loop3A_312 : vector<16xf32>
      %parallel_loop3A_314 = arith.constant 96 : i32
      %parallel_loop3A_315 = arith.addi %parallel_loop3A_233, %parallel_loop3A_314 : i32
      %parallel_loop3A_316 = arith.index_cast %parallel_loop3A_315 : i32 to index
      %parallel_loop3A_317 = tpu.vector_load %arg8[%parallel_loop3A_316] {strides = array<i32>} : memref<4096xi32, #tpu.memory_space<vmem>>, vector<16xi32>,
      %parallel_loop3A_318 = tpu.vector_load_idx %arg6[%parallel_loop3A_317] : memref<100000xf32, #tpu.memory_space<vmem>>[vector<16xi32>], vector<16xf32>,
      %parallel_loop3A_319 = arith.constant 96 : i32
      %parallel_loop3A_320 = arith.addi %parallel_loop3A_233, %parallel_loop3A_319 : i32
      %parallel_loop3A_321 = arith.index_cast %parallel_loop3A_320 : i32 to index
      %parallel_loop3A_322 = tpu.vector_load %arg10[%parallel_loop3A_321] {strides = array<i32>} : memref<4096xf32, #tpu.memory_space<vmem>>, vector<16xf32>,
      %parallel_loop3A_323 = arith.subf %parallel_loop3A_322, %parallel_loop3A_318 : vector<16xf32>
      %parallel_loop3A_324 = arith.mulf %parallel_loop3A_323, %parallel_loop3A_323 : vector<16xf32>
      %parallel_loop3A_325 = arith.addf %parallel_loop3A_240, %parallel_loop3A_324 : vector<16xf32>
      %parallel_loop3A_326 = arith.constant 112 : i32
      %parallel_loop3A_327 = arith.addi %parallel_loop3A_233, %parallel_loop3A_326 : i32
      %parallel_loop3A_328 = arith.index_cast %parallel_loop3A_327 : i32 to index
      %parallel_loop3A_329 = tpu.vector_load %arg8[%parallel_loop3A_328] {strides = array<i32>} : memref<4096xi32, #tpu.memory_space<vmem>>, vector<16xi32>,
      %parallel_loop3A_330 = tpu.vector_load_idx %arg6[%parallel_loop3A_329] : memref<100000xf32, #tpu.memory_space<vmem>>[vector<16xi32>], vector<16xf32>,
      %parallel_loop3A_331 = arith.constant 112 : i32
      %parallel_loop3A_332 = arith.addi %parallel_loop3A_233, %parallel_loop3A_331 : i32
      %parallel_loop3A_333 = arith.index_cast %parallel_loop3A_332 : i32 to index
      %parallel_loop3A_334 = tpu.vector_load %arg10[%parallel_loop3A_333] {strides = array<i32>} : memref<4096xf32, #tpu.memory_space<vmem>>, vector<16xf32>,
      %parallel_loop3A_335 = arith.subf %parallel_loop3A_334, %parallel_loop3A_330 : vector<16xf32>
      %parallel_loop3A_336 = arith.mulf %parallel_loop3A_335, %parallel_loop3A_335 : vector<16xf32>
      %parallel_loop3A_337 = arith.addf %parallel_loop3A_241, %parallel_loop3A_336 : vector<16xf32>
      scf.yield %parallel_loop3A_253, %parallel_loop3A_265, %parallel_loop3A_277, %parallel_loop3A_289, %parallel_loop3A_301, %parallel_loop3A_313, %parallel_loop3A_325, %parallel_loop3A_337 : vector<16xf32>, vector<16xf32>, vector<16xf32>, vector<16xf32>, vector<16xf32>, vector<16xf32>, vector<16xf32>, vector<16xf32>
    } {sc.loop_unroll_factor = 1 : i64, sc.parallel_access}
    %add3A_123 = arith.constant 1 : i32
    %add3A_124 = arith.addi %add3A_20, %add3A_123 : i32
    %dma_start3A_125 = arith.constant 0 : i32
    %dma_start3A_126 = tpu.memref_slice %arg2[%add3A_124, %dma_start3A_125] : memref<64x100000xf32, #tpu.memory_space<hbm>> -> memref<1x100000xf32, #tpu.memory_space<hbm>>
    %dma_start3A_127 = tpu.memref_squeeze %dma_start3A_126 : memref<1x100000xf32, #tpu.memory_space<hbm>> -> memref<100000xf32, #tpu.memory_space<hbm>>
    %dma_start3A_128 = arith.constant 0 : i32
    %dma_start3A_129 = tpu.memref_slice %arg2[%add3A_124, %dma_start3A_128] : memref<64x100000xf32, #tpu.memory_space<hbm>> -> memref<1x100000xf32, #tpu.memory_space<hbm>>
    %dma_start3A_130 = tpu.memref_squeeze %dma_start3A_129 : memref<1x100000xf32, #tpu.memory_space<hbm>> -> memref<100000xf32, #tpu.memory_space<hbm>>
    tpu.enqueue_dma source(%dma_start3A_130 : memref<100000xf32, #tpu.memory_space<hbm>>) target(%arg6 : memref<100000xf32, #tpu.memory_space<vmem>>) target_semaphore(%arg12 : memref<!tpu.dma_semaphore, #tpu.memory_space<semaphore_mem>>)
    %add3A_131 = arith.constant 1 : i32
    %add3A_132 = arith.addi %mul3A_3, %add3A_131 : i32
    %dma_wait3A_133 = arith.constant 0 : i32
    %dma_wait3A_134 = tpu.memref_slice %arg2[%add3A_124, %dma_wait3A_133] : memref<64x100000xf32, #tpu.memory_space<hbm>> -> memref<1x100000xf32, #tpu.memory_space<hbm>>
    %dma_wait3A_135 = tpu.memref_squeeze %dma_wait3A_134 : memref<1x100000xf32, #tpu.memory_space<hbm>> -> memref<100000xf32, #tpu.memory_space<hbm>>
    %dma_wait3A_136 = arith.constant 0 : i32
    %dma_wait3A_137 = tpu.memref_slice %arg2[%add3A_124, %dma_wait3A_136] : memref<64x100000xf32, #tpu.memory_space<hbm>> -> memref<1x100000xf32, #tpu.memory_space<hbm>>
    %dma_wait3A_138 = tpu.memref_squeeze %dma_wait3A_137 : memref<1x100000xf32, #tpu.memory_space<hbm>> -> memref<100000xf32, #tpu.memory_space<hbm>>
    tpu.wait_dma2 semaphore(%arg12 : memref<!tpu.dma_semaphore, #tpu.memory_space<semaphore_mem>>) src(%dma_wait3A_138 : memref<100000xf32, #tpu.memory_space<hbm>>) dst(%arg6 : memref<100000xf32, #tpu.memory_space<vmem>>)
    %dma_start3A_139 = arith.constant 4096 : i32
    %dma_start3A_140 = tpu.memref_slice %arg3[%dma_start3A_139] : memref<16384xi32, #tpu.memory_space<hbm>> -> memref<4096xi32, #tpu.memory_space<hbm>>
    %dma_start3A_141 = arith.constant 4096 : i32
    %dma_start3A_142 = tpu.memref_slice %arg3[%dma_start3A_141] : memref<16384xi32, #tpu.memory_space<hbm>> -> memref<4096xi32, #tpu.memory_space<hbm>>
    tpu.enqueue_dma source(%dma_start3A_142 : memref<4096xi32, #tpu.memory_space<hbm>>) target(%arg8 : memref<4096xi32, #tpu.memory_space<vmem>>) target_semaphore(%arg14 : memref<!tpu.dma_semaphore, #tpu.memory_space<semaphore_mem>>)
    %dma_start3A_143 = arith.constant 4096 : i32
    %dma_start3A_144 = tpu.memref_slice %arg4[%add3A_132, %dma_start3A_143] : memref<64x16384xf32, #tpu.memory_space<hbm>> -> memref<1x4096xf32, #tpu.memory_space<hbm>>
    %dma_start3A_145 = tpu.memref_squeeze %dma_start3A_144 : memref<1x4096xf32, #tpu.memory_space<hbm>> -> memref<4096xf32, #tpu.memory_space<hbm>>
    %dma_start3A_146 = arith.constant 4096 : i32
    %dma_start3A_147 = tpu.memref_slice %arg4[%add3A_132, %dma_start3A_146] : memref<64x16384xf32, #tpu.memory_space<hbm>> -> memref<1x4096xf32, #tpu.memory_space<hbm>>
    %dma_start3A_148 = tpu.memref_squeeze %dma_start3A_147 : memref<1x4096xf32, #tpu.memory_space<hbm>> -> memref<4096xf32, #tpu.memory_space<hbm>>
    tpu.enqueue_dma source(%dma_start3A_148 : memref<4096xf32, #tpu.memory_space<hbm>>) target(%arg10 : memref<4096xf32, #tpu.memory_space<vmem>>) target_semaphore(%arg14 : memref<!tpu.dma_semaphore, #tpu.memory_space<semaphore_mem>>)
    %dma_wait3A_149 = arith.constant 0 : i32
    %dma_wait3A_150 = tpu.memref_slice %arg3[%dma_wait3A_149] : memref<16384xi32, #tpu.memory_space<hbm>> -> memref<4096xi32, #tpu.memory_space<hbm>>
    %dma_wait3A_151 = arith.constant 0 : i32
    %dma_wait3A_152 = tpu.memref_slice %arg3[%dma_wait3A_151] : memref<16384xi32, #tpu.memory_space<hbm>> -> memref<4096xi32, #tpu.memory_space<hbm>>
    tpu.wait_dma2 semaphore(%arg13 : memref<!tpu.dma_semaphore, #tpu.memory_space<semaphore_mem>>) src(%dma_wait3A_152 : memref<4096xi32, #tpu.memory_space<hbm>>) dst(%arg7 : memref<4096xi32, #tpu.memory_space<vmem>>)
    %dma_wait3A_153 = arith.constant 0 : i32
    %dma_wait3A_154 = tpu.memref_slice %arg4[%add3A_98, %dma_wait3A_153] : memref<64x16384xf32, #tpu.memory_space<hbm>> -> memref<1x4096xf32, #tpu.memory_space<hbm>>
    %dma_wait3A_155 = tpu.memref_squeeze %dma_wait3A_154 : memref<1x4096xf32, #tpu.memory_space<hbm>> -> memref<4096xf32, #tpu.memory_space<hbm>>
    %dma_wait3A_156 = arith.constant 0 : i32
    %dma_wait3A_157 = tpu.memref_slice %arg4[%add3A_98, %dma_wait3A_156] : memref<64x16384xf32, #tpu.memory_space<hbm>> -> memref<1x4096xf32, #tpu.memory_space<hbm>>
    %dma_wait3A_158 = tpu.memref_squeeze %dma_wait3A_157 : memref<1x4096xf32, #tpu.memory_space<hbm>> -> memref<4096xf32, #tpu.memory_space<hbm>>
    tpu.wait_dma2 semaphore(%arg13 : memref<!tpu.dma_semaphore, #tpu.memory_space<semaphore_mem>>) src(%dma_wait3A_158 : memref<4096xf32, #tpu.memory_space<hbm>>) dst(%arg9 : memref<4096xf32, #tpu.memory_space<vmem>>)
    %parallel_loop3A_159 = arith.constant 0 : i32
    %parallel_loop3A_160 = arith.constant 4096 : i32
    %parallel_loop3A_161 = arith.constant 128 : i32
    %parallel_loop3A_162:8 = scf.for %parallel_loop3A_233 = %parallel_loop3A_159 to %parallel_loop3A_160 step %parallel_loop3A_161 iter_args(%parallel_loop3A_234 = %parallel_loop3A_122#0, %parallel_loop3A_235 = %parallel_loop3A_122#1, %parallel_loop3A_236 = %parallel_loop3A_122#2, %parallel_loop3A_237 = %parallel_loop3A_122#3, %parallel_loop3A_238 = %parallel_loop3A_122#4, %parallel_loop3A_239 = %parallel_loop3A_122#5, %parallel_loop3A_240 = %parallel_loop3A_122#6, %parallel_loop3A_241 = %parallel_loop3A_122#7) -> (vector<16xf32>, vector<16xf32>, vector<16xf32>, vector<16xf32>, vector<16xf32>, vector<16xf32>, vector<16xf32>, vector<16xf32>)  : i32 {
      %parallel_loop3A_242 = arith.constant 0 : i32
      %parallel_loop3A_243 = arith.addi %parallel_loop3A_233, %parallel_loop3A_242 : i32
      %parallel_loop3A_244 = arith.index_cast %parallel_loop3A_243 : i32 to index
      %parallel_loop3A_245 = tpu.vector_load %arg7[%parallel_loop3A_244] {strides = array<i32>} : memref<4096xi32, #tpu.memory_space<vmem>>, vector<16xi32>,
      %parallel_loop3A_246 = tpu.vector_load_idx %arg6[%parallel_loop3A_245] : memref<100000xf32, #tpu.memory_space<vmem>>[vector<16xi32>], vector<16xf32>,
      %parallel_loop3A_247 = arith.constant 0 : i32
      %parallel_loop3A_248 = arith.addi %parallel_loop3A_233, %parallel_loop3A_247 : i32
      %parallel_loop3A_249 = arith.index_cast %parallel_loop3A_248 : i32 to index
      %parallel_loop3A_250 = tpu.vector_load %arg9[%parallel_loop3A_249] {strides = array<i32>} : memref<4096xf32, #tpu.memory_space<vmem>>, vector<16xf32>,
      %parallel_loop3A_251 = arith.subf %parallel_loop3A_250, %parallel_loop3A_246 : vector<16xf32>
      %parallel_loop3A_252 = arith.mulf %parallel_loop3A_251, %parallel_loop3A_251 : vector<16xf32>
      %parallel_loop3A_253 = arith.addf %parallel_loop3A_234, %parallel_loop3A_252 : vector<16xf32>
      %parallel_loop3A_254 = arith.constant 16 : i32
      %parallel_loop3A_255 = arith.addi %parallel_loop3A_233, %parallel_loop3A_254 : i32
      %parallel_loop3A_256 = arith.index_cast %parallel_loop3A_255 : i32 to index
      %parallel_loop3A_257 = tpu.vector_load %arg7[%parallel_loop3A_256] {strides = array<i32>} : memref<4096xi32, #tpu.memory_space<vmem>>, vector<16xi32>,
      %parallel_loop3A_258 = tpu.vector_load_idx %arg6[%parallel_loop3A_257] : memref<100000xf32, #tpu.memory_space<vmem>>[vector<16xi32>], vector<16xf32>,
      %parallel_loop3A_259 = arith.constant 16 : i32
      %parallel_loop3A_260 = arith.addi %parallel_loop3A_233, %parallel_loop3A_259 : i32
      %parallel_loop3A_261 = arith.index_cast %parallel_loop3A_260 : i32 to index
      %parallel_loop3A_262 = tpu.vector_load %arg9[%parallel_loop3A_261] {strides = array<i32>} : memref<4096xf32, #tpu.memory_space<vmem>>, vector<16xf32>,
      %parallel_loop3A_263 = arith.subf %parallel_loop3A_262, %parallel_loop3A_258 : vector<16xf32>
      %parallel_loop3A_264 = arith.mulf %parallel_loop3A_263, %parallel_loop3A_263 : vector<16xf32>
      %parallel_loop3A_265 = arith.addf %parallel_loop3A_235, %parallel_loop3A_264 : vector<16xf32>
      %parallel_loop3A_266 = arith.constant 32 : i32
      %parallel_loop3A_267 = arith.addi %parallel_loop3A_233, %parallel_loop3A_266 : i32
      %parallel_loop3A_268 = arith.index_cast %parallel_loop3A_267 : i32 to index
      %parallel_loop3A_269 = tpu.vector_load %arg7[%parallel_loop3A_268] {strides = array<i32>} : memref<4096xi32, #tpu.memory_space<vmem>>, vector<16xi32>,
      %parallel_loop3A_270 = tpu.vector_load_idx %arg6[%parallel_loop3A_269] : memref<100000xf32, #tpu.memory_space<vmem>>[vector<16xi32>], vector<16xf32>,
      %parallel_loop3A_271 = arith.constant 32 : i32
      %parallel_loop3A_272 = arith.addi %parallel_loop3A_233, %parallel_loop3A_271 : i32
      %parallel_loop3A_273 = arith.index_cast %parallel_loop3A_272 : i32 to index
      %parallel_loop3A_274 = tpu.vector_load %arg9[%parallel_loop3A_273] {strides = array<i32>} : memref<4096xf32, #tpu.memory_space<vmem>>, vector<16xf32>,
      %parallel_loop3A_275 = arith.subf %parallel_loop3A_274, %parallel_loop3A_270 : vector<16xf32>
      %parallel_loop3A_276 = arith.mulf %parallel_loop3A_275, %parallel_loop3A_275 : vector<16xf32>
      %parallel_loop3A_277 = arith.addf %parallel_loop3A_236, %parallel_loop3A_276 : vector<16xf32>
      %parallel_loop3A_278 = arith.constant 48 : i32
      %parallel_loop3A_279 = arith.addi %parallel_loop3A_233, %parallel_loop3A_278 : i32
      %parallel_loop3A_280 = arith.index_cast %parallel_loop3A_279 : i32 to index
      %parallel_loop3A_281 = tpu.vector_load %arg7[%parallel_loop3A_280] {strides = array<i32>} : memref<4096xi32, #tpu.memory_space<vmem>>, vector<16xi32>,
      %parallel_loop3A_282 = tpu.vector_load_idx %arg6[%parallel_loop3A_281] : memref<100000xf32, #tpu.memory_space<vmem>>[vector<16xi32>], vector<16xf32>,
      %parallel_loop3A_283 = arith.constant 48 : i32
      %parallel_loop3A_284 = arith.addi %parallel_loop3A_233, %parallel_loop3A_283 : i32
      %parallel_loop3A_285 = arith.index_cast %parallel_loop3A_284 : i32 to index
      %parallel_loop3A_286 = tpu.vector_load %arg9[%parallel_loop3A_285] {strides = array<i32>} : memref<4096xf32, #tpu.memory_space<vmem>>, vector<16xf32>,
      %parallel_loop3A_287 = arith.subf %parallel_loop3A_286, %parallel_loop3A_282 : vector<16xf32>
      %parallel_loop3A_288 = arith.mulf %parallel_loop3A_287, %parallel_loop3A_287 : vector<16xf32>
      %parallel_loop3A_289 = arith.addf %parallel_loop3A_237, %parallel_loop3A_288 : vector<16xf32>
      %parallel_loop3A_290 = arith.constant 64 : i32
      %parallel_loop3A_291 = arith.addi %parallel_loop3A_233, %parallel_loop3A_290 : i32
      %parallel_loop3A_292 = arith.index_cast %parallel_loop3A_291 : i32 to index
      %parallel_loop3A_293 = tpu.vector_load %arg7[%parallel_loop3A_292] {strides = array<i32>} : memref<4096xi32, #tpu.memory_space<vmem>>, vector<16xi32>,
      %parallel_loop3A_294 = tpu.vector_load_idx %arg6[%parallel_loop3A_293] : memref<100000xf32, #tpu.memory_space<vmem>>[vector<16xi32>], vector<16xf32>,
      %parallel_loop3A_295 = arith.constant 64 : i32
      %parallel_loop3A_296 = arith.addi %parallel_loop3A_233, %parallel_loop3A_295 : i32
      %parallel_loop3A_297 = arith.index_cast %parallel_loop3A_296 : i32 to index
      %parallel_loop3A_298 = tpu.vector_load %arg9[%parallel_loop3A_297] {strides = array<i32>} : memref<4096xf32, #tpu.memory_space<vmem>>, vector<16xf32>,
      %parallel_loop3A_299 = arith.subf %parallel_loop3A_298, %parallel_loop3A_294 : vector<16xf32>
      %parallel_loop3A_300 = arith.mulf %parallel_loop3A_299, %parallel_loop3A_299 : vector<16xf32>
      %parallel_loop3A_301 = arith.addf %parallel_loop3A_238, %parallel_loop3A_300 : vector<16xf32>
      %parallel_loop3A_302 = arith.constant 80 : i32
      %parallel_loop3A_303 = arith.addi %parallel_loop3A_233, %parallel_loop3A_302 : i32
      %parallel_loop3A_304 = arith.index_cast %parallel_loop3A_303 : i32 to index
      %parallel_loop3A_305 = tpu.vector_load %arg7[%parallel_loop3A_304] {strides = array<i32>} : memref<4096xi32, #tpu.memory_space<vmem>>, vector<16xi32>,
      %parallel_loop3A_306 = tpu.vector_load_idx %arg6[%parallel_loop3A_305] : memref<100000xf32, #tpu.memory_space<vmem>>[vector<16xi32>], vector<16xf32>,
      %parallel_loop3A_307 = arith.constant 80 : i32
      %parallel_loop3A_308 = arith.addi %parallel_loop3A_233, %parallel_loop3A_307 : i32
      %parallel_loop3A_309 = arith.index_cast %parallel_loop3A_308 : i32 to index
      %parallel_loop3A_310 = tpu.vector_load %arg9[%parallel_loop3A_309] {strides = array<i32>} : memref<4096xf32, #tpu.memory_space<vmem>>, vector<16xf32>,
      %parallel_loop3A_311 = arith.subf %parallel_loop3A_310, %parallel_loop3A_306 : vector<16xf32>
      %parallel_loop3A_312 = arith.mulf %parallel_loop3A_311, %parallel_loop3A_311 : vector<16xf32>
      %parallel_loop3A_313 = arith.addf %parallel_loop3A_239, %parallel_loop3A_312 : vector<16xf32>
      %parallel_loop3A_314 = arith.constant 96 : i32
      %parallel_loop3A_315 = arith.addi %parallel_loop3A_233, %parallel_loop3A_314 : i32
      %parallel_loop3A_316 = arith.index_cast %parallel_loop3A_315 : i32 to index
      %parallel_loop3A_317 = tpu.vector_load %arg7[%parallel_loop3A_316] {strides = array<i32>} : memref<4096xi32, #tpu.memory_space<vmem>>, vector<16xi32>,
      %parallel_loop3A_318 = tpu.vector_load_idx %arg6[%parallel_loop3A_317] : memref<100000xf32, #tpu.memory_space<vmem>>[vector<16xi32>], vector<16xf32>,
      %parallel_loop3A_319 = arith.constant 96 : i32
      %parallel_loop3A_320 = arith.addi %parallel_loop3A_233, %parallel_loop3A_319 : i32
      %parallel_loop3A_321 = arith.index_cast %parallel_loop3A_320 : i32 to index
      %parallel_loop3A_322 = tpu.vector_load %arg9[%parallel_loop3A_321] {strides = array<i32>} : memref<4096xf32, #tpu.memory_space<vmem>>, vector<16xf32>,
      %parallel_loop3A_323 = arith.subf %parallel_loop3A_322, %parallel_loop3A_318 : vector<16xf32>
      %parallel_loop3A_324 = arith.mulf %parallel_loop3A_323, %parallel_loop3A_323 : vector<16xf32>
      %parallel_loop3A_325 = arith.addf %parallel_loop3A_240, %parallel_loop3A_324 : vector<16xf32>
      %parallel_loop3A_326 = arith.constant 112 : i32
      %parallel_loop3A_327 = arith.addi %parallel_loop3A_233, %parallel_loop3A_326 : i32
      %parallel_loop3A_328 = arith.index_cast %parallel_loop3A_327 : i32 to index
      %parallel_loop3A_329 = tpu.vector_load %arg7[%parallel_loop3A_328] {strides = array<i32>} : memref<4096xi32, #tpu.memory_space<vmem>>, vector<16xi32>,
      %parallel_loop3A_330 = tpu.vector_load_idx %arg6[%parallel_loop3A_329] : memref<100000xf32, #tpu.memory_space<vmem>>[vector<16xi32>], vector<16xf32>,
      %parallel_loop3A_331 = arith.constant 112 : i32
      %parallel_loop3A_332 = arith.addi %parallel_loop3A_233, %parallel_loop3A_331 : i32
      %parallel_loop3A_333 = arith.index_cast %parallel_loop3A_332 : i32 to index
      %parallel_loop3A_334 = tpu.vector_load %arg9[%parallel_loop3A_333] {strides = array<i32>} : memref<4096xf32, #tpu.memory_space<vmem>>, vector<16xf32>,
      %parallel_loop3A_335 = arith.subf %parallel_loop3A_334, %parallel_loop3A_330 : vector<16xf32>
      %parallel_loop3A_336 = arith.mulf %parallel_loop3A_335, %parallel_loop3A_335 : vector<16xf32>
      %parallel_loop3A_337 = arith.addf %parallel_loop3A_241, %parallel_loop3A_336 : vector<16xf32>
      scf.yield %parallel_loop3A_253, %parallel_loop3A_265, %parallel_loop3A_277, %parallel_loop3A_289, %parallel_loop3A_301, %parallel_loop3A_313, %parallel_loop3A_325, %parallel_loop3A_337 : vector<16xf32>, vector<16xf32>, vector<16xf32>, vector<16xf32>, vector<16xf32>, vector<16xf32>, vector<16xf32>, vector<16xf32>
    } {sc.loop_unroll_factor = 1 : i64, sc.parallel_access}
    %dma_start3A_163 = arith.constant 8192 : i32
    %dma_start3A_164 = tpu.memref_slice %arg3[%dma_start3A_163] : memref<16384xi32, #tpu.memory_space<hbm>> -> memref<4096xi32, #tpu.memory_space<hbm>>
    %dma_start3A_165 = arith.constant 8192 : i32
    %dma_start3A_166 = tpu.memref_slice %arg3[%dma_start3A_165] : memref<16384xi32, #tpu.memory_space<hbm>> -> memref<4096xi32, #tpu.memory_space<hbm>>
    tpu.enqueue_dma source(%dma_start3A_166 : memref<4096xi32, #tpu.memory_space<hbm>>) target(%arg7 : memref<4096xi32, #tpu.memory_space<vmem>>) target_semaphore(%arg13 : memref<!tpu.dma_semaphore, #tpu.memory_space<semaphore_mem>>)
    %dma_start3A_167 = arith.constant 8192 : i32
    %dma_start3A_168 = tpu.memref_slice %arg4[%add3A_132, %dma_start3A_167] : memref<64x16384xf32, #tpu.memory_space<hbm>> -> memref<1x4096xf32, #tpu.memory_space<hbm>>
    %dma_start3A_169 = tpu.memref_squeeze %dma_start3A_168 : memref<1x4096xf32, #tpu.memory_space<hbm>> -> memref<4096xf32, #tpu.memory_space<hbm>>
    %dma_start3A_170 = arith.constant 8192 : i32
    %dma_start3A_171 = tpu.memref_slice %arg4[%add3A_132, %dma_start3A_170] : memref<64x16384xf32, #tpu.memory_space<hbm>> -> memref<1x4096xf32, #tpu.memory_space<hbm>>
    %dma_start3A_172 = tpu.memref_squeeze %dma_start3A_171 : memref<1x4096xf32, #tpu.memory_space<hbm>> -> memref<4096xf32, #tpu.memory_space<hbm>>
    tpu.enqueue_dma source(%dma_start3A_172 : memref<4096xf32, #tpu.memory_space<hbm>>) target(%arg9 : memref<4096xf32, #tpu.memory_space<vmem>>) target_semaphore(%arg13 : memref<!tpu.dma_semaphore, #tpu.memory_space<semaphore_mem>>)
    %dma_wait3A_173 = arith.constant 4096 : i32
    %dma_wait3A_174 = tpu.memref_slice %arg3[%dma_wait3A_173] : memref<16384xi32, #tpu.memory_space<hbm>> -> memref<4096xi32, #tpu.memory_space<hbm>>
    %dma_wait3A_175 = arith.constant 4096 : i32
    %dma_wait3A_176 = tpu.memref_slice %arg3[%dma_wait3A_175] : memref<16384xi32, #tpu.memory_space<hbm>> -> memref<4096xi32, #tpu.memory_space<hbm>>
    tpu.wait_dma2 semaphore(%arg14 : memref<!tpu.dma_semaphore, #tpu.memory_space<semaphore_mem>>) src(%dma_wait3A_176 : memref<4096xi32, #tpu.memory_space<hbm>>) dst(%arg8 : memref<4096xi32, #tpu.memory_space<vmem>>)
    %dma_wait3A_177 = arith.constant 4096 : i32
    %dma_wait3A_178 = tpu.memref_slice %arg4[%add3A_132, %dma_wait3A_177] : memref<64x16384xf32, #tpu.memory_space<hbm>> -> memref<1x4096xf32, #tpu.memory_space<hbm>>
    %dma_wait3A_179 = tpu.memref_squeeze %dma_wait3A_178 : memref<1x4096xf32, #tpu.memory_space<hbm>> -> memref<4096xf32, #tpu.memory_space<hbm>>
    %dma_wait3A_180 = arith.constant 4096 : i32
    %dma_wait3A_181 = tpu.memref_slice %arg4[%add3A_132, %dma_wait3A_180] : memref<64x16384xf32, #tpu.memory_space<hbm>> -> memref<1x4096xf32, #tpu.memory_space<hbm>>
    %dma_wait3A_182 = tpu.memref_squeeze %dma_wait3A_181 : memref<1x4096xf32, #tpu.memory_space<hbm>> -> memref<4096xf32, #tpu.memory_space<hbm>>
    tpu.wait_dma2 semaphore(%arg14 : memref<!tpu.dma_semaphore, #tpu.memory_space<semaphore_mem>>) src(%dma_wait3A_182 : memref<4096xf32, #tpu.memory_space<hbm>>) dst(%arg10 : memref<4096xf32, #tpu.memory_space<vmem>>)
    %parallel_loop3A_183 = arith.constant 0 : i32
    %parallel_loop3A_184 = arith.constant 4096 : i32
    %parallel_loop3A_185 = arith.constant 128 : i32
    %parallel_loop3A_186:8 = scf.for %parallel_loop3A_233 = %parallel_loop3A_183 to %parallel_loop3A_184 step %parallel_loop3A_185 iter_args(%parallel_loop3A_234 = %parallel_loop3A_162#0, %parallel_loop3A_235 = %parallel_loop3A_162#1, %parallel_loop3A_236 = %parallel_loop3A_162#2, %parallel_loop3A_237 = %parallel_loop3A_162#3, %parallel_loop3A_238 = %parallel_loop3A_162#4, %parallel_loop3A_239 = %parallel_loop3A_162#5, %parallel_loop3A_240 = %parallel_loop3A_162#6, %parallel_loop3A_241 = %parallel_loop3A_162#7) -> (vector<16xf32>, vector<16xf32>, vector<16xf32>, vector<16xf32>, vector<16xf32>, vector<16xf32>, vector<16xf32>, vector<16xf32>)  : i32 {
      %parallel_loop3A_242 = arith.constant 0 : i32
      %parallel_loop3A_243 = arith.addi %parallel_loop3A_233, %parallel_loop3A_242 : i32
      %parallel_loop3A_244 = arith.index_cast %parallel_loop3A_243 : i32 to index
      %parallel_loop3A_245 = tpu.vector_load %arg8[%parallel_loop3A_244] {strides = array<i32>} : memref<4096xi32, #tpu.memory_space<vmem>>, vector<16xi32>,
      %parallel_loop3A_246 = tpu.vector_load_idx %arg6[%parallel_loop3A_245] : memref<100000xf32, #tpu.memory_space<vmem>>[vector<16xi32>], vector<16xf32>,
      %parallel_loop3A_247 = arith.constant 0 : i32
      %parallel_loop3A_248 = arith.addi %parallel_loop3A_233, %parallel_loop3A_247 : i32
      %parallel_loop3A_249 = arith.index_cast %parallel_loop3A_248 : i32 to index
      %parallel_loop3A_250 = tpu.vector_load %arg10[%parallel_loop3A_249] {strides = array<i32>} : memref<4096xf32, #tpu.memory_space<vmem>>, vector<16xf32>,
      %parallel_loop3A_251 = arith.subf %parallel_loop3A_250, %parallel_loop3A_246 : vector<16xf32>
      %parallel_loop3A_252 = arith.mulf %parallel_loop3A_251, %parallel_loop3A_251 : vector<16xf32>
      %parallel_loop3A_253 = arith.addf %parallel_loop3A_234, %parallel_loop3A_252 : vector<16xf32>
      %parallel_loop3A_254 = arith.constant 16 : i32
      %parallel_loop3A_255 = arith.addi %parallel_loop3A_233, %parallel_loop3A_254 : i32
      %parallel_loop3A_256 = arith.index_cast %parallel_loop3A_255 : i32 to index
      %parallel_loop3A_257 = tpu.vector_load %arg8[%parallel_loop3A_256] {strides = array<i32>} : memref<4096xi32, #tpu.memory_space<vmem>>, vector<16xi32>,
      %parallel_loop3A_258 = tpu.vector_load_idx %arg6[%parallel_loop3A_257] : memref<100000xf32, #tpu.memory_space<vmem>>[vector<16xi32>], vector<16xf32>,
      %parallel_loop3A_259 = arith.constant 16 : i32
      %parallel_loop3A_260 = arith.addi %parallel_loop3A_233, %parallel_loop3A_259 : i32
      %parallel_loop3A_261 = arith.index_cast %parallel_loop3A_260 : i32 to index
      %parallel_loop3A_262 = tpu.vector_load %arg10[%parallel_loop3A_261] {strides = array<i32>} : memref<4096xf32, #tpu.memory_space<vmem>>, vector<16xf32>,
      %parallel_loop3A_263 = arith.subf %parallel_loop3A_262, %parallel_loop3A_258 : vector<16xf32>
      %parallel_loop3A_264 = arith.mulf %parallel_loop3A_263, %parallel_loop3A_263 : vector<16xf32>
      %parallel_loop3A_265 = arith.addf %parallel_loop3A_235, %parallel_loop3A_264 : vector<16xf32>
      %parallel_loop3A_266 = arith.constant 32 : i32
      %parallel_loop3A_267 = arith.addi %parallel_loop3A_233, %parallel_loop3A_266 : i32
      %parallel_loop3A_268 = arith.index_cast %parallel_loop3A_267 : i32 to index
      %parallel_loop3A_269 = tpu.vector_load %arg8[%parallel_loop3A_268] {strides = array<i32>} : memref<4096xi32, #tpu.memory_space<vmem>>, vector<16xi32>,
      %parallel_loop3A_270 = tpu.vector_load_idx %arg6[%parallel_loop3A_269] : memref<100000xf32, #tpu.memory_space<vmem>>[vector<16xi32>], vector<16xf32>,
      %parallel_loop3A_271 = arith.constant 32 : i32
      %parallel_loop3A_272 = arith.addi %parallel_loop3A_233, %parallel_loop3A_271 : i32
      %parallel_loop3A_273 = arith.index_cast %parallel_loop3A_272 : i32 to index
      %parallel_loop3A_274 = tpu.vector_load %arg10[%parallel_loop3A_273] {strides = array<i32>} : memref<4096xf32, #tpu.memory_space<vmem>>, vector<16xf32>,
      %parallel_loop3A_275 = arith.subf %parallel_loop3A_274, %parallel_loop3A_270 : vector<16xf32>
      %parallel_loop3A_276 = arith.mulf %parallel_loop3A_275, %parallel_loop3A_275 : vector<16xf32>
      %parallel_loop3A_277 = arith.addf %parallel_loop3A_236, %parallel_loop3A_276 : vector<16xf32>
      %parallel_loop3A_278 = arith.constant 48 : i32
      %parallel_loop3A_279 = arith.addi %parallel_loop3A_233, %parallel_loop3A_278 : i32
      %parallel_loop3A_280 = arith.index_cast %parallel_loop3A_279 : i32 to index
      %parallel_loop3A_281 = tpu.vector_load %arg8[%parallel_loop3A_280] {strides = array<i32>} : memref<4096xi32, #tpu.memory_space<vmem>>, vector<16xi32>,
      %parallel_loop3A_282 = tpu.vector_load_idx %arg6[%parallel_loop3A_281] : memref<100000xf32, #tpu.memory_space<vmem>>[vector<16xi32>], vector<16xf32>,
      %parallel_loop3A_283 = arith.constant 48 : i32
      %parallel_loop3A_284 = arith.addi %parallel_loop3A_233, %parallel_loop3A_283 : i32
      %parallel_loop3A_285 = arith.index_cast %parallel_loop3A_284 : i32 to index
      %parallel_loop3A_286 = tpu.vector_load %arg10[%parallel_loop3A_285] {strides = array<i32>} : memref<4096xf32, #tpu.memory_space<vmem>>, vector<16xf32>,
      %parallel_loop3A_287 = arith.subf %parallel_loop3A_286, %parallel_loop3A_282 : vector<16xf32>
      %parallel_loop3A_288 = arith.mulf %parallel_loop3A_287, %parallel_loop3A_287 : vector<16xf32>
      %parallel_loop3A_289 = arith.addf %parallel_loop3A_237, %parallel_loop3A_288 : vector<16xf32>
      %parallel_loop3A_290 = arith.constant 64 : i32
      %parallel_loop3A_291 = arith.addi %parallel_loop3A_233, %parallel_loop3A_290 : i32
      %parallel_loop3A_292 = arith.index_cast %parallel_loop3A_291 : i32 to index
      %parallel_loop3A_293 = tpu.vector_load %arg8[%parallel_loop3A_292] {strides = array<i32>} : memref<4096xi32, #tpu.memory_space<vmem>>, vector<16xi32>,
      %parallel_loop3A_294 = tpu.vector_load_idx %arg6[%parallel_loop3A_293] : memref<100000xf32, #tpu.memory_space<vmem>>[vector<16xi32>], vector<16xf32>,
      %parallel_loop3A_295 = arith.constant 64 : i32
      %parallel_loop3A_296 = arith.addi %parallel_loop3A_233, %parallel_loop3A_295 : i32
      %parallel_loop3A_297 = arith.index_cast %parallel_loop3A_296 : i32 to index
      %parallel_loop3A_298 = tpu.vector_load %arg10[%parallel_loop3A_297] {strides = array<i32>} : memref<4096xf32, #tpu.memory_space<vmem>>, vector<16xf32>,
      %parallel_loop3A_299 = arith.subf %parallel_loop3A_298, %parallel_loop3A_294 : vector<16xf32>
      %parallel_loop3A_300 = arith.mulf %parallel_loop3A_299, %parallel_loop3A_299 : vector<16xf32>
      %parallel_loop3A_301 = arith.addf %parallel_loop3A_238, %parallel_loop3A_300 : vector<16xf32>
      %parallel_loop3A_302 = arith.constant 80 : i32
      %parallel_loop3A_303 = arith.addi %parallel_loop3A_233, %parallel_loop3A_302 : i32
      %parallel_loop3A_304 = arith.index_cast %parallel_loop3A_303 : i32 to index
      %parallel_loop3A_305 = tpu.vector_load %arg8[%parallel_loop3A_304] {strides = array<i32>} : memref<4096xi32, #tpu.memory_space<vmem>>, vector<16xi32>,
      %parallel_loop3A_306 = tpu.vector_load_idx %arg6[%parallel_loop3A_305] : memref<100000xf32, #tpu.memory_space<vmem>>[vector<16xi32>], vector<16xf32>,
      %parallel_loop3A_307 = arith.constant 80 : i32
      %parallel_loop3A_308 = arith.addi %parallel_loop3A_233, %parallel_loop3A_307 : i32
      %parallel_loop3A_309 = arith.index_cast %parallel_loop3A_308 : i32 to index
      %parallel_loop3A_310 = tpu.vector_load %arg10[%parallel_loop3A_309] {strides = array<i32>} : memref<4096xf32, #tpu.memory_space<vmem>>, vector<16xf32>,
      %parallel_loop3A_311 = arith.subf %parallel_loop3A_310, %parallel_loop3A_306 : vector<16xf32>
      %parallel_loop3A_312 = arith.mulf %parallel_loop3A_311, %parallel_loop3A_311 : vector<16xf32>
      %parallel_loop3A_313 = arith.addf %parallel_loop3A_239, %parallel_loop3A_312 : vector<16xf32>
      %parallel_loop3A_314 = arith.constant 96 : i32
      %parallel_loop3A_315 = arith.addi %parallel_loop3A_233, %parallel_loop3A_314 : i32
      %parallel_loop3A_316 = arith.index_cast %parallel_loop3A_315 : i32 to index
      %parallel_loop3A_317 = tpu.vector_load %arg8[%parallel_loop3A_316] {strides = array<i32>} : memref<4096xi32, #tpu.memory_space<vmem>>, vector<16xi32>,
      %parallel_loop3A_318 = tpu.vector_load_idx %arg6[%parallel_loop3A_317] : memref<100000xf32, #tpu.memory_space<vmem>>[vector<16xi32>], vector<16xf32>,
      %parallel_loop3A_319 = arith.constant 96 : i32
      %parallel_loop3A_320 = arith.addi %parallel_loop3A_233, %parallel_loop3A_319 : i32
      %parallel_loop3A_321 = arith.index_cast %parallel_loop3A_320 : i32 to index
      %parallel_loop3A_322 = tpu.vector_load %arg10[%parallel_loop3A_321] {strides = array<i32>} : memref<4096xf32, #tpu.memory_space<vmem>>, vector<16xf32>,
      %parallel_loop3A_323 = arith.subf %parallel_loop3A_322, %parallel_loop3A_318 : vector<16xf32>
      %parallel_loop3A_324 = arith.mulf %parallel_loop3A_323, %parallel_loop3A_323 : vector<16xf32>
      %parallel_loop3A_325 = arith.addf %parallel_loop3A_240, %parallel_loop3A_324 : vector<16xf32>
      %parallel_loop3A_326 = arith.constant 112 : i32
      %parallel_loop3A_327 = arith.addi %parallel_loop3A_233, %parallel_loop3A_326 : i32
      %parallel_loop3A_328 = arith.index_cast %parallel_loop3A_327 : i32 to index
      %parallel_loop3A_329 = tpu.vector_load %arg8[%parallel_loop3A_328] {strides = array<i32>} : memref<4096xi32, #tpu.memory_space<vmem>>, vector<16xi32>,
      %parallel_loop3A_330 = tpu.vector_load_idx %arg6[%parallel_loop3A_329] : memref<100000xf32, #tpu.memory_space<vmem>>[vector<16xi32>], vector<16xf32>,
      %parallel_loop3A_331 = arith.constant 112 : i32
      %parallel_loop3A_332 = arith.addi %parallel_loop3A_233, %parallel_loop3A_331 : i32
      %parallel_loop3A_333 = arith.index_cast %parallel_loop3A_332 : i32 to index
      %parallel_loop3A_334 = tpu.vector_load %arg10[%parallel_loop3A_333] {strides = array<i32>} : memref<4096xf32, #tpu.memory_space<vmem>>, vector<16xf32>,
      %parallel_loop3A_335 = arith.subf %parallel_loop3A_334, %parallel_loop3A_330 : vector<16xf32>
      %parallel_loop3A_336 = arith.mulf %parallel_loop3A_335, %parallel_loop3A_335 : vector<16xf32>
      %parallel_loop3A_337 = arith.addf %parallel_loop3A_241, %parallel_loop3A_336 : vector<16xf32>
      scf.yield %parallel_loop3A_253, %parallel_loop3A_265, %parallel_loop3A_277, %parallel_loop3A_289, %parallel_loop3A_301, %parallel_loop3A_313, %parallel_loop3A_325, %parallel_loop3A_337 : vector<16xf32>, vector<16xf32>, vector<16xf32>, vector<16xf32>, vector<16xf32>, vector<16xf32>, vector<16xf32>, vector<16xf32>
    } {sc.loop_unroll_factor = 1 : i64, sc.parallel_access}
    %dma_start3A_187 = arith.constant 12288 : i32
    %dma_start3A_188 = tpu.memref_slice %arg3[%dma_start3A_187] : memref<16384xi32, #tpu.memory_space<hbm>> -> memref<4096xi32, #tpu.memory_space<hbm>>
    %dma_start3A_189 = arith.constant 12288 : i32
    %dma_start3A_190 = tpu.memref_slice %arg3[%dma_start3A_189] : memref<16384xi32, #tpu.memory_space<hbm>> -> memref<4096xi32, #tpu.memory_space<hbm>>
    tpu.enqueue_dma source(%dma_start3A_190 : memref<4096xi32, #tpu.memory_space<hbm>>) target(%arg8 : memref<4096xi32, #tpu.memory_space<vmem>>) target_semaphore(%arg14 : memref<!tpu.dma_semaphore, #tpu.memory_space<semaphore_mem>>)
    %dma_start3A_191 = arith.constant 12288 : i32
    %dma_start3A_192 = tpu.memref_slice %arg4[%add3A_132, %dma_start3A_191] : memref<64x16384xf32, #tpu.memory_space<hbm>> -> memref<1x4096xf32, #tpu.memory_space<hbm>>
    %dma_start3A_193 = tpu.memref_squeeze %dma_start3A_192 : memref<1x4096xf32, #tpu.memory_space<hbm>> -> memref<4096xf32, #tpu.memory_space<hbm>>
    %dma_start3A_194 = arith.constant 12288 : i32
    %dma_start3A_195 = tpu.memref_slice %arg4[%add3A_132, %dma_start3A_194] : memref<64x16384xf32, #tpu.memory_space<hbm>> -> memref<1x4096xf32, #tpu.memory_space<hbm>>
    %dma_start3A_196 = tpu.memref_squeeze %dma_start3A_195 : memref<1x4096xf32, #tpu.memory_space<hbm>> -> memref<4096xf32, #tpu.memory_space<hbm>>
    tpu.enqueue_dma source(%dma_start3A_196 : memref<4096xf32, #tpu.memory_space<hbm>>) target(%arg10 : memref<4096xf32, #tpu.memory_space<vmem>>) target_semaphore(%arg14 : memref<!tpu.dma_semaphore, #tpu.memory_space<semaphore_mem>>)
    %dma_wait3A_197 = arith.constant 8192 : i32
    %dma_wait3A_198 = tpu.memref_slice %arg3[%dma_wait3A_197] : memref<16384xi32, #tpu.memory_space<hbm>> -> memref<4096xi32, #tpu.memory_space<hbm>>
    %dma_wait3A_199 = arith.constant 8192 : i32
    %dma_wait3A_200 = tpu.memref_slice %arg3[%dma_wait3A_199] : memref<16384xi32, #tpu.memory_space<hbm>> -> memref<4096xi32, #tpu.memory_space<hbm>>
    tpu.wait_dma2 semaphore(%arg13 : memref<!tpu.dma_semaphore, #tpu.memory_space<semaphore_mem>>) src(%dma_wait3A_200 : memref<4096xi32, #tpu.memory_space<hbm>>) dst(%arg7 : memref<4096xi32, #tpu.memory_space<vmem>>)
    %dma_wait3A_201 = arith.constant 8192 : i32
    %dma_wait3A_202 = tpu.memref_slice %arg4[%add3A_132, %dma_wait3A_201] : memref<64x16384xf32, #tpu.memory_space<hbm>> -> memref<1x4096xf32, #tpu.memory_space<hbm>>
    %dma_wait3A_203 = tpu.memref_squeeze %dma_wait3A_202 : memref<1x4096xf32, #tpu.memory_space<hbm>> -> memref<4096xf32, #tpu.memory_space<hbm>>
    %dma_wait3A_204 = arith.constant 8192 : i32
    %dma_wait3A_205 = tpu.memref_slice %arg4[%add3A_132, %dma_wait3A_204] : memref<64x16384xf32, #tpu.memory_space<hbm>> -> memref<1x4096xf32, #tpu.memory_space<hbm>>
    %dma_wait3A_206 = tpu.memref_squeeze %dma_wait3A_205 : memref<1x4096xf32, #tpu.memory_space<hbm>> -> memref<4096xf32, #tpu.memory_space<hbm>>
    tpu.wait_dma2 semaphore(%arg13 : memref<!tpu.dma_semaphore, #tpu.memory_space<semaphore_mem>>) src(%dma_wait3A_206 : memref<4096xf32, #tpu.memory_space<hbm>>) dst(%arg9 : memref<4096xf32, #tpu.memory_space<vmem>>)
    %parallel_loop3A_207 = arith.constant 0 : i32
    %parallel_loop3A_208 = arith.constant 4096 : i32
    %parallel_loop3A_209 = arith.constant 128 : i32
    %parallel_loop3A_210:8 = scf.for %parallel_loop3A_233 = %parallel_loop3A_207 to %parallel_loop3A_208 step %parallel_loop3A_209 iter_args(%parallel_loop3A_234 = %parallel_loop3A_186#0, %parallel_loop3A_235 = %parallel_loop3A_186#1, %parallel_loop3A_236 = %parallel_loop3A_186#2, %parallel_loop3A_237 = %parallel_loop3A_186#3, %parallel_loop3A_238 = %parallel_loop3A_186#4, %parallel_loop3A_239 = %parallel_loop3A_186#5, %parallel_loop3A_240 = %parallel_loop3A_186#6, %parallel_loop3A_241 = %parallel_loop3A_186#7) -> (vector<16xf32>, vector<16xf32>, vector<16xf32>, vector<16xf32>, vector<16xf32>, vector<16xf32>, vector<16xf32>, vector<16xf32>)  : i32 {
      %parallel_loop3A_242 = arith.constant 0 : i32
      %parallel_loop3A_243 = arith.addi %parallel_loop3A_233, %parallel_loop3A_242 : i32
      %parallel_loop3A_244 = arith.index_cast %parallel_loop3A_243 : i32 to index
      %parallel_loop3A_245 = tpu.vector_load %arg7[%parallel_loop3A_244] {strides = array<i32>} : memref<4096xi32, #tpu.memory_space<vmem>>, vector<16xi32>,
      %parallel_loop3A_246 = tpu.vector_load_idx %arg6[%parallel_loop3A_245] : memref<100000xf32, #tpu.memory_space<vmem>>[vector<16xi32>], vector<16xf32>,
      %parallel_loop3A_247 = arith.constant 0 : i32
      %parallel_loop3A_248 = arith.addi %parallel_loop3A_233, %parallel_loop3A_247 : i32
      %parallel_loop3A_249 = arith.index_cast %parallel_loop3A_248 : i32 to index
      %parallel_loop3A_250 = tpu.vector_load %arg9[%parallel_loop3A_249] {strides = array<i32>} : memref<4096xf32, #tpu.memory_space<vmem>>, vector<16xf32>,
      %parallel_loop3A_251 = arith.subf %parallel_loop3A_250, %parallel_loop3A_246 : vector<16xf32>
      %parallel_loop3A_252 = arith.mulf %parallel_loop3A_251, %parallel_loop3A_251 : vector<16xf32>
      %parallel_loop3A_253 = arith.addf %parallel_loop3A_234, %parallel_loop3A_252 : vector<16xf32>
      %parallel_loop3A_254 = arith.constant 16 : i32
      %parallel_loop3A_255 = arith.addi %parallel_loop3A_233, %parallel_loop3A_254 : i32
      %parallel_loop3A_256 = arith.index_cast %parallel_loop3A_255 : i32 to index
      %parallel_loop3A_257 = tpu.vector_load %arg7[%parallel_loop3A_256] {strides = array<i32>} : memref<4096xi32, #tpu.memory_space<vmem>>, vector<16xi32>,
      %parallel_loop3A_258 = tpu.vector_load_idx %arg6[%parallel_loop3A_257] : memref<100000xf32, #tpu.memory_space<vmem>>[vector<16xi32>], vector<16xf32>,
      %parallel_loop3A_259 = arith.constant 16 : i32
      %parallel_loop3A_260 = arith.addi %parallel_loop3A_233, %parallel_loop3A_259 : i32
      %parallel_loop3A_261 = arith.index_cast %parallel_loop3A_260 : i32 to index
      %parallel_loop3A_262 = tpu.vector_load %arg9[%parallel_loop3A_261] {strides = array<i32>} : memref<4096xf32, #tpu.memory_space<vmem>>, vector<16xf32>,
      %parallel_loop3A_263 = arith.subf %parallel_loop3A_262, %parallel_loop3A_258 : vector<16xf32>
      %parallel_loop3A_264 = arith.mulf %parallel_loop3A_263, %parallel_loop3A_263 : vector<16xf32>
      %parallel_loop3A_265 = arith.addf %parallel_loop3A_235, %parallel_loop3A_264 : vector<16xf32>
      %parallel_loop3A_266 = arith.constant 32 : i32
      %parallel_loop3A_267 = arith.addi %parallel_loop3A_233, %parallel_loop3A_266 : i32
      %parallel_loop3A_268 = arith.index_cast %parallel_loop3A_267 : i32 to index
      %parallel_loop3A_269 = tpu.vector_load %arg7[%parallel_loop3A_268] {strides = array<i32>} : memref<4096xi32, #tpu.memory_space<vmem>>, vector<16xi32>,
      %parallel_loop3A_270 = tpu.vector_load_idx %arg6[%parallel_loop3A_269] : memref<100000xf32, #tpu.memory_space<vmem>>[vector<16xi32>], vector<16xf32>,
      %parallel_loop3A_271 = arith.constant 32 : i32
      %parallel_loop3A_272 = arith.addi %parallel_loop3A_233, %parallel_loop3A_271 : i32
      %parallel_loop3A_273 = arith.index_cast %parallel_loop3A_272 : i32 to index
      %parallel_loop3A_274 = tpu.vector_load %arg9[%parallel_loop3A_273] {strides = array<i32>} : memref<4096xf32, #tpu.memory_space<vmem>>, vector<16xf32>,
      %parallel_loop3A_275 = arith.subf %parallel_loop3A_274, %parallel_loop3A_270 : vector<16xf32>
      %parallel_loop3A_276 = arith.mulf %parallel_loop3A_275, %parallel_loop3A_275 : vector<16xf32>
      %parallel_loop3A_277 = arith.addf %parallel_loop3A_236, %parallel_loop3A_276 : vector<16xf32>
      %parallel_loop3A_278 = arith.constant 48 : i32
      %parallel_loop3A_279 = arith.addi %parallel_loop3A_233, %parallel_loop3A_278 : i32
      %parallel_loop3A_280 = arith.index_cast %parallel_loop3A_279 : i32 to index
      %parallel_loop3A_281 = tpu.vector_load %arg7[%parallel_loop3A_280] {strides = array<i32>} : memref<4096xi32, #tpu.memory_space<vmem>>, vector<16xi32>,
      %parallel_loop3A_282 = tpu.vector_load_idx %arg6[%parallel_loop3A_281] : memref<100000xf32, #tpu.memory_space<vmem>>[vector<16xi32>], vector<16xf32>,
      %parallel_loop3A_283 = arith.constant 48 : i32
      %parallel_loop3A_284 = arith.addi %parallel_loop3A_233, %parallel_loop3A_283 : i32
      %parallel_loop3A_285 = arith.index_cast %parallel_loop3A_284 : i32 to index
      %parallel_loop3A_286 = tpu.vector_load %arg9[%parallel_loop3A_285] {strides = array<i32>} : memref<4096xf32, #tpu.memory_space<vmem>>, vector<16xf32>,
      %parallel_loop3A_287 = arith.subf %parallel_loop3A_286, %parallel_loop3A_282 : vector<16xf32>
      %parallel_loop3A_288 = arith.mulf %parallel_loop3A_287, %parallel_loop3A_287 : vector<16xf32>
      %parallel_loop3A_289 = arith.addf %parallel_loop3A_237, %parallel_loop3A_288 : vector<16xf32>
      %parallel_loop3A_290 = arith.constant 64 : i32
      %parallel_loop3A_291 = arith.addi %parallel_loop3A_233, %parallel_loop3A_290 : i32
      %parallel_loop3A_292 = arith.index_cast %parallel_loop3A_291 : i32 to index
      %parallel_loop3A_293 = tpu.vector_load %arg7[%parallel_loop3A_292] {strides = array<i32>} : memref<4096xi32, #tpu.memory_space<vmem>>, vector<16xi32>,
      %parallel_loop3A_294 = tpu.vector_load_idx %arg6[%parallel_loop3A_293] : memref<100000xf32, #tpu.memory_space<vmem>>[vector<16xi32>], vector<16xf32>,
      %parallel_loop3A_295 = arith.constant 64 : i32
      %parallel_loop3A_296 = arith.addi %parallel_loop3A_233, %parallel_loop3A_295 : i32
      %parallel_loop3A_297 = arith.index_cast %parallel_loop3A_296 : i32 to index
      %parallel_loop3A_298 = tpu.vector_load %arg9[%parallel_loop3A_297] {strides = array<i32>} : memref<4096xf32, #tpu.memory_space<vmem>>, vector<16xf32>,
      %parallel_loop3A_299 = arith.subf %parallel_loop3A_298, %parallel_loop3A_294 : vector<16xf32>
      %parallel_loop3A_300 = arith.mulf %parallel_loop3A_299, %parallel_loop3A_299 : vector<16xf32>
      %parallel_loop3A_301 = arith.addf %parallel_loop3A_238, %parallel_loop3A_300 : vector<16xf32>
      %parallel_loop3A_302 = arith.constant 80 : i32
      %parallel_loop3A_303 = arith.addi %parallel_loop3A_233, %parallel_loop3A_302 : i32
      %parallel_loop3A_304 = arith.index_cast %parallel_loop3A_303 : i32 to index
      %parallel_loop3A_305 = tpu.vector_load %arg7[%parallel_loop3A_304] {strides = array<i32>} : memref<4096xi32, #tpu.memory_space<vmem>>, vector<16xi32>,
      %parallel_loop3A_306 = tpu.vector_load_idx %arg6[%parallel_loop3A_305] : memref<100000xf32, #tpu.memory_space<vmem>>[vector<16xi32>], vector<16xf32>,
      %parallel_loop3A_307 = arith.constant 80 : i32
      %parallel_loop3A_308 = arith.addi %parallel_loop3A_233, %parallel_loop3A_307 : i32
      %parallel_loop3A_309 = arith.index_cast %parallel_loop3A_308 : i32 to index
      %parallel_loop3A_310 = tpu.vector_load %arg9[%parallel_loop3A_309] {strides = array<i32>} : memref<4096xf32, #tpu.memory_space<vmem>>, vector<16xf32>,
      %parallel_loop3A_311 = arith.subf %parallel_loop3A_310, %parallel_loop3A_306 : vector<16xf32>
      %parallel_loop3A_312 = arith.mulf %parallel_loop3A_311, %parallel_loop3A_311 : vector<16xf32>
      %parallel_loop3A_313 = arith.addf %parallel_loop3A_239, %parallel_loop3A_312 : vector<16xf32>
      %parallel_loop3A_314 = arith.constant 96 : i32
      %parallel_loop3A_315 = arith.addi %parallel_loop3A_233, %parallel_loop3A_314 : i32
      %parallel_loop3A_316 = arith.index_cast %parallel_loop3A_315 : i32 to index
      %parallel_loop3A_317 = tpu.vector_load %arg7[%parallel_loop3A_316] {strides = array<i32>} : memref<4096xi32, #tpu.memory_space<vmem>>, vector<16xi32>,
      %parallel_loop3A_318 = tpu.vector_load_idx %arg6[%parallel_loop3A_317] : memref<100000xf32, #tpu.memory_space<vmem>>[vector<16xi32>], vector<16xf32>,
      %parallel_loop3A_319 = arith.constant 96 : i32
      %parallel_loop3A_320 = arith.addi %parallel_loop3A_233, %parallel_loop3A_319 : i32
      %parallel_loop3A_321 = arith.index_cast %parallel_loop3A_320 : i32 to index
      %parallel_loop3A_322 = tpu.vector_load %arg9[%parallel_loop3A_321] {strides = array<i32>} : memref<4096xf32, #tpu.memory_space<vmem>>, vector<16xf32>,
      %parallel_loop3A_323 = arith.subf %parallel_loop3A_322, %parallel_loop3A_318 : vector<16xf32>
      %parallel_loop3A_324 = arith.mulf %parallel_loop3A_323, %parallel_loop3A_323 : vector<16xf32>
      %parallel_loop3A_325 = arith.addf %parallel_loop3A_240, %parallel_loop3A_324 : vector<16xf32>
      %parallel_loop3A_326 = arith.constant 112 : i32
      %parallel_loop3A_327 = arith.addi %parallel_loop3A_233, %parallel_loop3A_326 : i32
      %parallel_loop3A_328 = arith.index_cast %parallel_loop3A_327 : i32 to index
      %parallel_loop3A_329 = tpu.vector_load %arg7[%parallel_loop3A_328] {strides = array<i32>} : memref<4096xi32, #tpu.memory_space<vmem>>, vector<16xi32>,
      %parallel_loop3A_330 = tpu.vector_load_idx %arg6[%parallel_loop3A_329] : memref<100000xf32, #tpu.memory_space<vmem>>[vector<16xi32>], vector<16xf32>,
      %parallel_loop3A_331 = arith.constant 112 : i32
      %parallel_loop3A_332 = arith.addi %parallel_loop3A_233, %parallel_loop3A_331 : i32
      %parallel_loop3A_333 = arith.index_cast %parallel_loop3A_332 : i32 to index
      %parallel_loop3A_334 = tpu.vector_load %arg9[%parallel_loop3A_333] {strides = array<i32>} : memref<4096xf32, #tpu.memory_space<vmem>>, vector<16xf32>,
      %parallel_loop3A_335 = arith.subf %parallel_loop3A_334, %parallel_loop3A_330 : vector<16xf32>
      %parallel_loop3A_336 = arith.mulf %parallel_loop3A_335, %parallel_loop3A_335 : vector<16xf32>
      %parallel_loop3A_337 = arith.addf %parallel_loop3A_241, %parallel_loop3A_336 : vector<16xf32>
      scf.yield %parallel_loop3A_253, %parallel_loop3A_265, %parallel_loop3A_277, %parallel_loop3A_289, %parallel_loop3A_301, %parallel_loop3A_313, %parallel_loop3A_325, %parallel_loop3A_337 : vector<16xf32>, vector<16xf32>, vector<16xf32>, vector<16xf32>, vector<16xf32>, vector<16xf32>, vector<16xf32>, vector<16xf32>
    } {sc.loop_unroll_factor = 1 : i64, sc.parallel_access}
    %dma_wait3A_211 = arith.constant 12288 : i32
    %dma_wait3A_212 = tpu.memref_slice %arg3[%dma_wait3A_211] : memref<16384xi32, #tpu.memory_space<hbm>> -> memref<4096xi32, #tpu.memory_space<hbm>>
    %dma_wait3A_213 = arith.constant 12288 : i32
    %dma_wait3A_214 = tpu.memref_slice %arg3[%dma_wait3A_213] : memref<16384xi32, #tpu.memory_space<hbm>> -> memref<4096xi32, #tpu.memory_space<hbm>>
    tpu.wait_dma2 semaphore(%arg14 : memref<!tpu.dma_semaphore, #tpu.memory_space<semaphore_mem>>) src(%dma_wait3A_214 : memref<4096xi32, #tpu.memory_space<hbm>>) dst(%arg8 : memref<4096xi32, #tpu.memory_space<vmem>>)
    %dma_wait3A_215 = arith.constant 12288 : i32
    %dma_wait3A_216 = tpu.memref_slice %arg4[%add3A_132, %dma_wait3A_215] : memref<64x16384xf32, #tpu.memory_space<hbm>> -> memref<1x4096xf32, #tpu.memory_space<hbm>>
    %dma_wait3A_217 = tpu.memref_squeeze %dma_wait3A_216 : memref<1x4096xf32, #tpu.memory_space<hbm>> -> memref<4096xf32, #tpu.memory_space<hbm>>
    %dma_wait3A_218 = arith.constant 12288 : i32
    %dma_wait3A_219 = tpu.memref_slice %arg4[%add3A_132, %dma_wait3A_218] : memref<64x16384xf32, #tpu.memory_space<hbm>> -> memref<1x4096xf32, #tpu.memory_space<hbm>>
    %dma_wait3A_220 = tpu.memref_squeeze %dma_wait3A_219 : memref<1x4096xf32, #tpu.memory_space<hbm>> -> memref<4096xf32, #tpu.memory_space<hbm>>
    tpu.wait_dma2 semaphore(%arg14 : memref<!tpu.dma_semaphore, #tpu.memory_space<semaphore_mem>>) src(%dma_wait3A_220 : memref<4096xf32, #tpu.memory_space<hbm>>) dst(%arg10 : memref<4096xf32, #tpu.memory_space<vmem>>)
    %parallel_loop3A_221 = arith.constant 0 : i32
    %parallel_loop3A_222 = arith.constant 4096 : i32
    %parallel_loop3A_223 = arith.constant 128 : i32
    %parallel_loop3A_224:8 = scf.for %parallel_loop3A_233 = %parallel_loop3A_221 to %parallel_loop3A_222 step %parallel_loop3A_223 iter_args(%parallel_loop3A_234 = %parallel_loop3A_210#0, %parallel_loop3A_235 = %parallel_loop3A_210#1, %parallel_loop3A_236 = %parallel_loop3A_210#2, %parallel_loop3A_237 = %parallel_loop3A_210#3, %parallel_loop3A_238 = %parallel_loop3A_210#4, %parallel_loop3A_239 = %parallel_loop3A_210#5, %parallel_loop3A_240 = %parallel_loop3A_210#6, %parallel_loop3A_241 = %parallel_loop3A_210#7) -> (vector<16xf32>, vector<16xf32>, vector<16xf32>, vector<16xf32>, vector<16xf32>, vector<16xf32>, vector<16xf32>, vector<16xf32>)  : i32 {
      %parallel_loop3A_242 = arith.constant 0 : i32
      %parallel_loop3A_243 = arith.addi %parallel_loop3A_233, %parallel_loop3A_242 : i32
      %parallel_loop3A_244 = arith.index_cast %parallel_loop3A_243 : i32 to index
      %parallel_loop3A_245 = tpu.vector_load %arg8[%parallel_loop3A_244] {strides = array<i32>} : memref<4096xi32, #tpu.memory_space<vmem>>, vector<16xi32>,
      %parallel_loop3A_246 = tpu.vector_load_idx %arg6[%parallel_loop3A_245] : memref<100000xf32, #tpu.memory_space<vmem>>[vector<16xi32>], vector<16xf32>,
      %parallel_loop3A_247 = arith.constant 0 : i32
      %parallel_loop3A_248 = arith.addi %parallel_loop3A_233, %parallel_loop3A_247 : i32
      %parallel_loop3A_249 = arith.index_cast %parallel_loop3A_248 : i32 to index
      %parallel_loop3A_250 = tpu.vector_load %arg10[%parallel_loop3A_249] {strides = array<i32>} : memref<4096xf32, #tpu.memory_space<vmem>>, vector<16xf32>,
      %parallel_loop3A_251 = arith.subf %parallel_loop3A_250, %parallel_loop3A_246 : vector<16xf32>
      %parallel_loop3A_252 = arith.mulf %parallel_loop3A_251, %parallel_loop3A_251 : vector<16xf32>
      %parallel_loop3A_253 = arith.addf %parallel_loop3A_234, %parallel_loop3A_252 : vector<16xf32>
      %parallel_loop3A_254 = arith.constant 16 : i32
      %parallel_loop3A_255 = arith.addi %parallel_loop3A_233, %parallel_loop3A_254 : i32
      %parallel_loop3A_256 = arith.index_cast %parallel_loop3A_255 : i32 to index
      %parallel_loop3A_257 = tpu.vector_load %arg8[%parallel_loop3A_256] {strides = array<i32>} : memref<4096xi32, #tpu.memory_space<vmem>>, vector<16xi32>,
      %parallel_loop3A_258 = tpu.vector_load_idx %arg6[%parallel_loop3A_257] : memref<100000xf32, #tpu.memory_space<vmem>>[vector<16xi32>], vector<16xf32>,
      %parallel_loop3A_259 = arith.constant 16 : i32
      %parallel_loop3A_260 = arith.addi %parallel_loop3A_233, %parallel_loop3A_259 : i32
      %parallel_loop3A_261 = arith.index_cast %parallel_loop3A_260 : i32 to index
      %parallel_loop3A_262 = tpu.vector_load %arg10[%parallel_loop3A_261] {strides = array<i32>} : memref<4096xf32, #tpu.memory_space<vmem>>, vector<16xf32>,
      %parallel_loop3A_263 = arith.subf %parallel_loop3A_262, %parallel_loop3A_258 : vector<16xf32>
      %parallel_loop3A_264 = arith.mulf %parallel_loop3A_263, %parallel_loop3A_263 : vector<16xf32>
      %parallel_loop3A_265 = arith.addf %parallel_loop3A_235, %parallel_loop3A_264 : vector<16xf32>
      %parallel_loop3A_266 = arith.constant 32 : i32
      %parallel_loop3A_267 = arith.addi %parallel_loop3A_233, %parallel_loop3A_266 : i32
      %parallel_loop3A_268 = arith.index_cast %parallel_loop3A_267 : i32 to index
      %parallel_loop3A_269 = tpu.vector_load %arg8[%parallel_loop3A_268] {strides = array<i32>} : memref<4096xi32, #tpu.memory_space<vmem>>, vector<16xi32>,
      %parallel_loop3A_270 = tpu.vector_load_idx %arg6[%parallel_loop3A_269] : memref<100000xf32, #tpu.memory_space<vmem>>[vector<16xi32>], vector<16xf32>,
      %parallel_loop3A_271 = arith.constant 32 : i32
      %parallel_loop3A_272 = arith.addi %parallel_loop3A_233, %parallel_loop3A_271 : i32
      %parallel_loop3A_273 = arith.index_cast %parallel_loop3A_272 : i32 to index
      %parallel_loop3A_274 = tpu.vector_load %arg10[%parallel_loop3A_273] {strides = array<i32>} : memref<4096xf32, #tpu.memory_space<vmem>>, vector<16xf32>,
      %parallel_loop3A_275 = arith.subf %parallel_loop3A_274, %parallel_loop3A_270 : vector<16xf32>
      %parallel_loop3A_276 = arith.mulf %parallel_loop3A_275, %parallel_loop3A_275 : vector<16xf32>
      %parallel_loop3A_277 = arith.addf %parallel_loop3A_236, %parallel_loop3A_276 : vector<16xf32>
      %parallel_loop3A_278 = arith.constant 48 : i32
      %parallel_loop3A_279 = arith.addi %parallel_loop3A_233, %parallel_loop3A_278 : i32
      %parallel_loop3A_280 = arith.index_cast %parallel_loop3A_279 : i32 to index
      %parallel_loop3A_281 = tpu.vector_load %arg8[%parallel_loop3A_280] {strides = array<i32>} : memref<4096xi32, #tpu.memory_space<vmem>>, vector<16xi32>,
      %parallel_loop3A_282 = tpu.vector_load_idx %arg6[%parallel_loop3A_281] : memref<100000xf32, #tpu.memory_space<vmem>>[vector<16xi32>], vector<16xf32>,
      %parallel_loop3A_283 = arith.constant 48 : i32
      %parallel_loop3A_284 = arith.addi %parallel_loop3A_233, %parallel_loop3A_283 : i32
      %parallel_loop3A_285 = arith.index_cast %parallel_loop3A_284 : i32 to index
      %parallel_loop3A_286 = tpu.vector_load %arg10[%parallel_loop3A_285] {strides = array<i32>} : memref<4096xf32, #tpu.memory_space<vmem>>, vector<16xf32>,
      %parallel_loop3A_287 = arith.subf %parallel_loop3A_286, %parallel_loop3A_282 : vector<16xf32>
      %parallel_loop3A_288 = arith.mulf %parallel_loop3A_287, %parallel_loop3A_287 : vector<16xf32>
      %parallel_loop3A_289 = arith.addf %parallel_loop3A_237, %parallel_loop3A_288 : vector<16xf32>
      %parallel_loop3A_290 = arith.constant 64 : i32
      %parallel_loop3A_291 = arith.addi %parallel_loop3A_233, %parallel_loop3A_290 : i32
      %parallel_loop3A_292 = arith.index_cast %parallel_loop3A_291 : i32 to index
      %parallel_loop3A_293 = tpu.vector_load %arg8[%parallel_loop3A_292] {strides = array<i32>} : memref<4096xi32, #tpu.memory_space<vmem>>, vector<16xi32>,
      %parallel_loop3A_294 = tpu.vector_load_idx %arg6[%parallel_loop3A_293] : memref<100000xf32, #tpu.memory_space<vmem>>[vector<16xi32>], vector<16xf32>,
      %parallel_loop3A_295 = arith.constant 64 : i32
      %parallel_loop3A_296 = arith.addi %parallel_loop3A_233, %parallel_loop3A_295 : i32
      %parallel_loop3A_297 = arith.index_cast %parallel_loop3A_296 : i32 to index
      %parallel_loop3A_298 = tpu.vector_load %arg10[%parallel_loop3A_297] {strides = array<i32>} : memref<4096xf32, #tpu.memory_space<vmem>>, vector<16xf32>,
      %parallel_loop3A_299 = arith.subf %parallel_loop3A_298, %parallel_loop3A_294 : vector<16xf32>
      %parallel_loop3A_300 = arith.mulf %parallel_loop3A_299, %parallel_loop3A_299 : vector<16xf32>
      %parallel_loop3A_301 = arith.addf %parallel_loop3A_238, %parallel_loop3A_300 : vector<16xf32>
      %parallel_loop3A_302 = arith.constant 80 : i32
      %parallel_loop3A_303 = arith.addi %parallel_loop3A_233, %parallel_loop3A_302 : i32
      %parallel_loop3A_304 = arith.index_cast %parallel_loop3A_303 : i32 to index
      %parallel_loop3A_305 = tpu.vector_load %arg8[%parallel_loop3A_304] {strides = array<i32>} : memref<4096xi32, #tpu.memory_space<vmem>>, vector<16xi32>,
      %parallel_loop3A_306 = tpu.vector_load_idx %arg6[%parallel_loop3A_305] : memref<100000xf32, #tpu.memory_space<vmem>>[vector<16xi32>], vector<16xf32>,
      %parallel_loop3A_307 = arith.constant 80 : i32
      %parallel_loop3A_308 = arith.addi %parallel_loop3A_233, %parallel_loop3A_307 : i32
      %parallel_loop3A_309 = arith.index_cast %parallel_loop3A_308 : i32 to index
      %parallel_loop3A_310 = tpu.vector_load %arg10[%parallel_loop3A_309] {strides = array<i32>} : memref<4096xf32, #tpu.memory_space<vmem>>, vector<16xf32>,
      %parallel_loop3A_311 = arith.subf %parallel_loop3A_310, %parallel_loop3A_306 : vector<16xf32>
      %parallel_loop3A_312 = arith.mulf %parallel_loop3A_311, %parallel_loop3A_311 : vector<16xf32>
      %parallel_loop3A_313 = arith.addf %parallel_loop3A_239, %parallel_loop3A_312 : vector<16xf32>
      %parallel_loop3A_314 = arith.constant 96 : i32
      %parallel_loop3A_315 = arith.addi %parallel_loop3A_233, %parallel_loop3A_314 : i32
      %parallel_loop3A_316 = arith.index_cast %parallel_loop3A_315 : i32 to index
      %parallel_loop3A_317 = tpu.vector_load %arg8[%parallel_loop3A_316] {strides = array<i32>} : memref<4096xi32, #tpu.memory_space<vmem>>, vector<16xi32>,
      %parallel_loop3A_318 = tpu.vector_load_idx %arg6[%parallel_loop3A_317] : memref<100000xf32, #tpu.memory_space<vmem>>[vector<16xi32>], vector<16xf32>,
      %parallel_loop3A_319 = arith.constant 96 : i32
      %parallel_loop3A_320 = arith.addi %parallel_loop3A_233, %parallel_loop3A_319 : i32
      %parallel_loop3A_321 = arith.index_cast %parallel_loop3A_320 : i32 to index
      %parallel_loop3A_322 = tpu.vector_load %arg10[%parallel_loop3A_321] {strides = array<i32>} : memref<4096xf32, #tpu.memory_space<vmem>>, vector<16xf32>,
      %parallel_loop3A_323 = arith.subf %parallel_loop3A_322, %parallel_loop3A_318 : vector<16xf32>
      %parallel_loop3A_324 = arith.mulf %parallel_loop3A_323, %parallel_loop3A_323 : vector<16xf32>
      %parallel_loop3A_325 = arith.addf %parallel_loop3A_240, %parallel_loop3A_324 : vector<16xf32>
      %parallel_loop3A_326 = arith.constant 112 : i32
      %parallel_loop3A_327 = arith.addi %parallel_loop3A_233, %parallel_loop3A_326 : i32
      %parallel_loop3A_328 = arith.index_cast %parallel_loop3A_327 : i32 to index
      %parallel_loop3A_329 = tpu.vector_load %arg8[%parallel_loop3A_328] {strides = array<i32>} : memref<4096xi32, #tpu.memory_space<vmem>>, vector<16xi32>,
      %parallel_loop3A_330 = tpu.vector_load_idx %arg6[%parallel_loop3A_329] : memref<100000xf32, #tpu.memory_space<vmem>>[vector<16xi32>], vector<16xf32>,
      %parallel_loop3A_331 = arith.constant 112 : i32
      %parallel_loop3A_332 = arith.addi %parallel_loop3A_233, %parallel_loop3A_331 : i32
      %parallel_loop3A_333 = arith.index_cast %parallel_loop3A_332 : i32 to index
      %parallel_loop3A_334 = tpu.vector_load %arg10[%parallel_loop3A_333] {strides = array<i32>} : memref<4096xf32, #tpu.memory_space<vmem>>, vector<16xf32>,
      %parallel_loop3A_335 = arith.subf %parallel_loop3A_334, %parallel_loop3A_330 : vector<16xf32>
      %parallel_loop3A_336 = arith.mulf %parallel_loop3A_335, %parallel_loop3A_335 : vector<16xf32>
      %parallel_loop3A_337 = arith.addf %parallel_loop3A_241, %parallel_loop3A_336 : vector<16xf32>
      scf.yield %parallel_loop3A_253, %parallel_loop3A_265, %parallel_loop3A_277, %parallel_loop3A_289, %parallel_loop3A_301, %parallel_loop3A_313, %parallel_loop3A_325, %parallel_loop3A_337 : vector<16xf32>, vector<16xf32>, vector<16xf32>, vector<16xf32>, vector<16xf32>, vector<16xf32>, vector<16xf32>, vector<16xf32>
    } {sc.loop_unroll_factor = 1 : i64, sc.parallel_access}
    %add3A_225 = arith.addf %parallel_loop3A_224#0, %parallel_loop3A_224#1 : vector<16xf32>
    %add3A_226 = arith.addf %parallel_loop3A_224#2, %parallel_loop3A_224#3 : vector<16xf32>
    %add3A_227 = arith.addf %add3A_225, %add3A_226 : vector<16xf32>
    %add3A_228 = arith.addf %parallel_loop3A_224#4, %parallel_loop3A_224#5 : vector<16xf32>
    %add3A_229 = arith.addf %parallel_loop3A_224#6, %parallel_loop3A_224#7 : vector<16xf32>
    %add3A_230 = arith.addf %add3A_228, %add3A_229 : vector<16xf32>
    %add3A_231 = arith.addf %add3A_227, %add3A_230 : vector<16xf32>
    %swap3A = arith.constant 0 : index
    %swap3A_232 = tpu.vector_load %arg11[%swap3A] {strides = array<i32>} : memref<16xf32, #tpu.memory_space<vmem>>, vector<16xf32>,
    tpu.vector_store %arg11[%swap3A], %add3A_231 {strides = array<i32>} : memref<16xf32, #tpu.memory_space<vmem>>, vector<16xf32>,
    "tpu.region"() ({
      %run_scoped3A = tpu.sem_alloc : memref<!tpu.dma_semaphore, #tpu.memory_space<semaphore_mem>>
      %dma_start3A_233 = arith.constant 0 : i32
      %dma_start3A_234 = tpu.memref_slice %arg5[%add3A, %dma_start3A_233] : memref<32x16xf32, #tpu.memory_space<hbm>> -> memref<1x16xf32, #tpu.memory_space<hbm>>
      %dma_start3A_235 = tpu.memref_squeeze %dma_start3A_234 : memref<1x16xf32, #tpu.memory_space<hbm>> -> memref<16xf32, #tpu.memory_space<hbm>>
      %dma_start3A_236 = arith.constant 0 : i32
      %dma_start3A_237 = tpu.memref_slice %arg5[%add3A, %dma_start3A_236] : memref<32x16xf32, #tpu.memory_space<hbm>> -> memref<1x16xf32, #tpu.memory_space<hbm>>
      %dma_start3A_238 = tpu.memref_squeeze %dma_start3A_237 : memref<1x16xf32, #tpu.memory_space<hbm>> -> memref<16xf32, #tpu.memory_space<hbm>>
      tpu.enqueue_dma source(%arg11 : memref<16xf32, #tpu.memory_space<vmem>>) target(%dma_start3A_238 : memref<16xf32, #tpu.memory_space<hbm>>) target_semaphore(%run_scoped3A : memref<!tpu.dma_semaphore, #tpu.memory_space<semaphore_mem>>)
      %dma_wait3A_239 = arith.constant 0 : i32
      %dma_wait3A_240 = tpu.memref_slice %arg5[%add3A, %dma_wait3A_239] : memref<32x16xf32, #tpu.memory_space<hbm>> -> memref<1x16xf32, #tpu.memory_space<hbm>>
      %dma_wait3A_241 = tpu.memref_squeeze %dma_wait3A_240 : memref<1x16xf32, #tpu.memory_space<hbm>> -> memref<16xf32, #tpu.memory_space<hbm>>
      %dma_wait3A_242 = arith.constant 0 : i32
      %dma_wait3A_243 = tpu.memref_slice %arg5[%add3A, %dma_wait3A_242] : memref<32x16xf32, #tpu.memory_space<hbm>> -> memref<1x16xf32, #tpu.memory_space<hbm>>
      %dma_wait3A_244 = tpu.memref_squeeze %dma_wait3A_243 : memref<1x16xf32, #tpu.memory_space<hbm>> -> memref<16xf32, #tpu.memory_space<hbm>>
      tpu.wait_dma2 semaphore(%run_scoped3A : memref<!tpu.dma_semaphore, #tpu.memory_space<semaphore_mem>>) src(%arg11 : memref<16xf32, #tpu.memory_space<vmem>>) dst(%dma_wait3A_244 : memref<16xf32, #tpu.memory_space<hbm>>)
      tpu.yield
    }) : () -> ()
    return
  }
}

</mosaic_0001>

<sc_bundles>
// kernel: kernel.3.cloned.1.call-start
scs
__scs_entry_jumppad:
0x0: {  	(pc) =	sbr.rel $0x88, $3  }
0x1: {  	(tag) =	ssettag $0x0;
	lr =	simm.s32 $0x1  }
0x2: {  	[smem:$0x3F9E] =	sst lr;
	_ =	strace $0xD0000000  }
0x3: {  	_ = 	snop  }
0x4: {  	_ = 	snop  }
0x5: {  	_ = 	snop  }
0x6: {  	_ = 	snop  }
0x7: {  	_ = 	snop  }
__scs_overlays_trampoline_lowered:
0x8: {  	[smem:$0x3FAD] =	sst s0  }
0x9: {  	[smem:$0x3FAE] =	sst s1  }
0xa: {  	[smem:$0x3FAF] =	sst s2  }
0xb: {  	[smem:$0x3FB0] =	sst s3  }
0xc: {  	[smem:$0x3FB1] =	sst s4  }
0xd: {  	[smem:$0x3FB2] =	sst s5  }
0xe: {  	[smem:$0x3FB3] =	sst s6  }
0xf: {  	[smem:$0x3FB4] =	sst s7  }
0x10: {  	[smem:$0x3FB5] =	sst s8  }
0x11: {  	[smem:$0x3FB6] =	sst s9;
	s0 =	simm.s32 @!p0 $0x0  }
0x12: {  	s1 =	sld [smem:$0x3F9C];
	s0 =	simm.s32 @p0 $0x1  }
0x13: {  	[smem:$0x3FB7] =	sst s0;
	s0 =	simm.s32 @!p1 $0x0  }
0x14: {  	s2 =	sld [smem:$0x3F9B];
	s0 =	simm.s32 @p1 $0x1  }
0x15: {  	[smem:$0x3FB8] =	sst s0;
	s0 =	simm.s32 @!p2 $0x0  }
0x16: {  	s3 =	sld [smem:$0x3FDB];
	s0 =	simm.s32 @p2 $0x1  }
0x17: {  	s4 =	simm.s32 $0x1BF5;
	[smem:$0x3FBA] =	sst s0  }
0x18: {  	s0 =	sld [smem:$0x3F9D];
	_ =	swait.ge [sflag:s4], $0x0  }
0x19: {  	s7 =	sld [smem:$0x3F9E]  }
0x1a: {  	s8 =	sadd.s32 $0xFFFFE003, lr  }
0x1b: {  	s9 =	sadd.s32 $0xFFFFFEF7, lr;
	s5 =	simm.s32 $0xFFFFFFFF;
	p2 =	slt.u32 s8, $0xFFFFF086  }
0x1c: {  	p1 =	slt.u32 s9, $0xF7A;
	s5 =	simm.s32 @!p2 $0x0  }
0x1d: {  	s5 =	simm.s32 @p1 $0x1;
	p0 =	seq.s32 s7, s2  }
0x1e: {  	s7 =	smul.u32 @!p0 $0xF7A, s2;
	p2 =	seq.s32 @!p0 s5, $0x0  }
0x1f: {  	s9 =	smul.u32 $0xF7A, s1;
	s8 =	simm.s32 @!p0 $0x1BF5;
	p2 =	por !p2, p0  }
0x20: {  	[sflag:s8] =	ssyncset.s32 @!p0 $0xFFFFF086;
	s6 =	sadd.s32 @!p0 s3, s7;
	s7 =	simm.s32 @!p0 $0x108  }
0x21: {  	s3 =	sadd.s32 s3, s9;
	s6 =	sadd.s32 @!p0 $0x88, s6;
	s7 =	simm.s32 @p2 $0x1082  }
0x22: {  	[simem:s7], [sflag:s8] =	dma.local @!p0 [hbm:s6], $0xF7A  }
0x23: {  	s9 =	sor.u32 $0xD0000000, s2;
	s6 =	simm.s32 $0x108;
	_ =	swait.ge @!p0 [sflag:s8], $0x0  }
0x24: {  	s3 =	sadd.s32 $0x88, s3;
	s6 =	simm.s32 @!p1 $0x1082;
	[sflag:s4] =	ssyncset.s32 $0xFFFFF086  }
0x25: {  	[simem:s6], [sflag:s4] =	dma.local [hbm:s3], $0xF7A  }
0x26: {  	[smem:$0x3F9E] =	sst s1;
	(tag) =	ssettag s2;
	_ =	strace s9  }
0x27: {  	s1 =	sld [smem:$0x3FAE]  }
0x28: {  	s2 =	sld [smem:$0x3FAF]  }
0x29: {  	s4 =	sld [smem:$0x3FB1]  }
0x2a: {  	p0 =	seq.s32 s5, $0x0;
	s5 =	sld [smem:$0x3FB2]  }
0x2b: {  	s6 =	sld [smem:$0x3FB3]  }
0x2c: {  	s7 =	sld [smem:$0x3FB4]  }
0x2d: {  	s3 =	simm.s32 $0x108;
	s8 =	sld [smem:$0x3FB5]  }
0x2e: {  	s3 =	simm.s32 @!p0 $0x1082;
	s9 =	sld [smem:$0x3FB6]  }
0x2f: {  	lr =	sadd.s32 s0, s3;
	s0 =	sld [smem:$0x3FAD]  }
0x30: {  	s3 =	sld [smem:$0x3FB0]  }
0x31: {  	[smem:$0x3FB9] =	sst s10  }
0x32: {  	s10 =	sld [smem:$0x3FB7];
	_ =	sdelay $0x3  }
0x33: {  	p0 =	seq.s32 s10, $0x1;
	s10 =	sld [smem:$0x3FB9];
	_ =	sdelay $0x3  }
0x34: {  	[smem:$0x3FB9] =	sst s10  }
0x35: {  	s10 =	sld [smem:$0x3FB8];
	_ =	sdelay $0x3  }
0x36: {  	p1 =	seq.s32 s10, $0x1;
	s10 =	sld [smem:$0x3FB9];
	_ =	sdelay $0x3  }
0x37: {  	[smem:$0x3FB9] =	sst s10  }
0x38: {  	s10 =	sld [smem:$0x3FBA]  }
0x39: {  	_ = 	snop;
	(pc) =	sbr.ind lr, $3  }
0x3a: {  	_ = 	snop  }
0x3b: {  	_ = 	snop  }
0x3c: {  	p2 =	seq.s32 s10, $0x1;
	s10 =	sld [smem:$0x3FB9]  }
0x3d: {  	_ =	shalt  }
0x3e: {  	_ =	shalt  }
0x3f: {  	_ =	shalt  }
0x40: {  	_ =	shalt  }
0x41: {  	_ =	shalt  }
0x42: {  	_ =	shalt  }
0x43: {  	_ =	shalt  }
0x44: {  	_ =	shalt  }
0x45: {  	_ =	shalt  }
0x46: {  	_ =	shalt  }
0x47: {  	_ =	shalt  }
0x48: {  	_ =	shalt  }
0x49: {  	_ =	shalt  }
0x4a: {  	_ =	shalt  }
0x4b: {  	_ =	shalt  }
0x4c: {  	_ =	shalt  }
0x4d: {  	_ =	shalt  }
0x4e: {  	_ =	shalt  }
0x4f: {  	_ =	shalt  }
0x50: {  	_ =	shalt  }
0x51: {  	_ =	shalt  }
0x52: {  	_ =	shalt  }
0x53: {  	_ =	shalt  }
0x54: {  	_ =	shalt  }
0x55: {  	_ =	shalt  }
0x56: {  	_ =	shalt  }
0x57: {  	_ =	shalt  }
0x58: {  	_ =	shalt  }
0x59: {  	_ =	shalt  }
0x5a: {  	_ =	shalt  }
0x5b: {  	_ =	shalt  }
0x5c: {  	_ =	shalt  }
0x5d: {  	_ =	shalt  }
0x5e: {  	_ =	shalt  }
0x5f: {  	_ =	shalt  }
0x60: {  	_ =	shalt  }
0x61: {  	_ =	shalt  }
0x62: {  	_ =	shalt  }
0x63: {  	_ =	shalt  }
0x64: {  	_ =	shalt  }
0x65: {  	_ =	shalt  }
0x66: {  	_ =	shalt  }
0x67: {  	_ =	shalt  }
0x68: {  	_ =	shalt  }
0x69: {  	_ =	shalt  }
0x6a: {  	_ =	shalt  }
0x6b: {  	_ =	shalt  }
0x6c: {  	_ =	shalt  }
0x6d: {  	_ =	shalt  }
0x6e: {  	_ =	shalt  }
0x6f: {  	_ =	shalt  }
0x70: {  	_ =	shalt  }
0x71: {  	_ =	shalt  }
0x72: {  	_ =	shalt  }
0x73: {  	_ =	shalt  }
0x74: {  	_ =	shalt  }
0x75: {  	_ =	shalt  }
0x76: {  	_ =	shalt  }
0x77: {  	_ =	shalt  }
0x78: {  	_ =	shalt  }
0x79: {  	_ =	shalt  }
0x7a: {  	_ =	shalt  }
0x7b: {  	_ =	shalt  }
0x7c: {  	_ =	shalt  }
0x7d: {  	_ =	shalt  }
0x7e: {  	_ =	shalt  }
0x7f: {  	_ =	shalt  }
0x80: {  	_ =	shalt  }
0x81: {  	_ =	shalt  }
0x82: {  	_ =	shalt  }
0x83: {  	_ =	shalt  }
0x84: {  	_ =	shalt  }
0x85: {  	_ =	shalt  }
0x86: {  	_ =	shalt  }
0x87: {  	_ =	shalt  }
.Lfunc_end0:
.L_simem_size_0:
called_computation_lowered:
.L_overlay_start_0:
0x88: {  	s2 =	sld [smem:$0x3FD9]  }
0x89: {  	s3 =	sld [smem:$0x3FFE];
	_ =	sdelay $0x1  }
0x8a: {  	s1 =	srdreg.scid  }
0x8b: {  	s0 =	sand.u32 $0x1, s1  }
0x8c: {  	s17 =	sshll.u32 s0, $0xA;
	s2 =	sadd.s32 s3, s2  }
0x8d: {  	s2 =	sadd.s32 s2, s17  }
0x8e: {  	[smem:$0x3FC5] =	sst s2  }
0x8f: {  	_ = 	snop  }
0x90: {  	s2 =	sld [smem:$0x3FC9]  }
0x91: {  	s18 =	sld [smem:$0x3FC8]  }
0x92: {  	s4 =	sld [smem:$0x3FC7];
	(tm) =	ssettm $0x1  }
0x93: {  	s5 =	sld [smem:$0x3FFB];
	_ =	sdelay $0x3  }
0x94: {  	_ =	strace s5  }
0x95: {  	s5 =	sld [smem:$0x3FFC];
	_ =	sdelay $0x3  }
0x96: {  	_ =	strace s5  }
0x97: {  	s5 =	sld [smem:$0x3FFD];
	_ =	sdelay $0x3  }
0x98: {  	_ =	strace s5  }
0x99: {  	_ =	strace $0x8FFFFFFF  }
0x9a: {  	s19 =	sld [smem:$0x3FDB];
	_ =	sdelay $0x1  }
0x9b: {  	s6 =	simm.s32 $_scs_section_size  }
0x9c: {  	s7 =	simm.s32 $_size__tile_overlayer_lowered;
	s8 =	simm.s32 $_tile_overlayer_lowered  }
0x9d: {  	s22 =	simm.s32 $0x1BFF;
	s21 =	sshll.u32 s8, $0x1;
	s5 =	sadd.s32 s6, s19  }
0x9e: {  	s9 =	simm.s32 $0x0;
	s20 =	sshll.u32 s7, $0x1;
	s7 =	sadd.s32 s21, s5  }
0x9f: {  	[timem:s9], [sflag:s22] =	dma.local [hbm:s7], s20  }
0xa0: {  	_ =	swait.ge [sflag:s22], s20  }
0xa1: {  	s6 =	ssub.s32 $0x0, s20;
	[sflag:s22] =	ssyncset.done $0x0  }
0xa2: {  	[sflag:s22] =	ssyncadd.s32 s6;
	_ =	sdelay $0x1  }
0xa3: {  	s23 =	simm.s32 $0x1B8B  }
0xa4: {  	_ =	swait.ge [sflag:s23], $0x1  }
0xa5: {  	[sflag:s23] =	ssyncset.done $0x0  }
0xa6: {  	s25 =	simm.s32 $0x1B8E;
	s24 =	sld [smem:$0x3FFE];
	[sflag:s23] =	ssyncadd.s32 $0xFFFFFFFF  }
0xa7: {  	s26 =	simm.s32 $execute0_lowered;
	[smem:$0x3FD2] =	sst s25  }
0xa8: {  	s7 =	sshll.u32 s26, $0x1;
	_ =	strace $0x80000046;
	[dreg:$0x1] =	wrdreg $0xFFFFFFFF  }
0xa9: {  	s28 =	simm.s32 $_size_execute0_lowered;
	s5 =	sadd.s32 s5, s7;
	[dreg:$0x0] =	wrdreg $0x0  }
0xaa: {  	s7 =	sshll.u32 s28, $0x1;
	[dreg:$0x2] =	wrdreg s5  }
0xab: {  	[dreg:$0x3] =	wrdreg s7  }
0xac: {  	[dreg:$0x4] =	wrdreg $0xC0  }
0xad: {  	_ =	task [dreg:s9], $0x5FFFF  }
0xae: {  	[dreg:$0x1] =	wrdreg $0xFFFFFFFF  }
0xaf: {  	[dreg:$0x0] =	wrdreg $0x60  }
0xb0: {  	[dreg:$0x2] =	wrdreg s4  }
0xb1: {  	[dreg:$0x3] =	wrdreg s2  }
0xb2: {  	[dreg:$0x4] =	wrdreg s18  }
0xb3: {  	[dreg:$0x5] =	wrdreg s24  }
0xb4: {  	[dreg:$0x6] =	wrdreg $0x9  }
0xb5: {  	_ =	task.clear_ibuf [dreg:s9], $0x7FFFF;
	_ =	strace $0x90000046  }
0xb6: {  	s29 =	simm.s32 $0x9;
	_ =	strace $0x80000048  }
0xb7: {  	_ =	swait.ge [sflag:s29], $0x1  }
0xb8: {  	[sflag:s29] =	ssyncadd.s32 $0xFFFFFFFF  }
0xb9: {  	_ =	strace $0x90000048  }
0xba: {  	_ =	sfence  }
0xbb: {  	s30 =	sld [smem:$0x0];
	_ =	sdelay $0x2  }
0xbc: {  	s31 =	sshll.u32 s1, $0xD;
	s1 =	sshrl.u32 s1, $0x2  }
0xbd: {  	s3 =	sand.u32 $0x4000, s31;
	s1 =	sadd.s32 s1, s30  }
0xbe: {  	s0 =	sor.u32 s3, s0;
	s1 =	sshll.u32 s1, $0x11  }
0xbf: {  	s0 =	sor.u32 s1, s0  }
0xc0: {  	s0 =	sadd.s32 $0x8F2B, s0  }
0xc1: {  	[sflag:s0] =	ssyncadd.remote.s32 $0x1  }
0xc2: {  	_ =	sfence.sel $0xFFFF  }
0xc3: {  	[dreg:$0x0] =	wrdreg $0xFFFFFFFF;
	(pc) =	sbr.abs _section_cstart, $3  }
0xc4: {  	[dreg:$0x1] =	wrdreg $0xFFFFFFFF  }
0xc5: {  	_ =	task.clear_ibuf [dreg:s9], $0x2FFFF;
	_ =	strace $0x9FFFFFFF  }
0xc6: {  	(tm) =	ssettm $0x7FFFFFFF  }
0xc7: {  	_ =	shalt  }
tec
execute0_lowered:
.L_overlay_start_1:
0x0: {  	(tag) =	ssettag $0x1  }
0x1: {  	s0 =	rddreg [dreg:$0x0]  }
0x2: {  	s1 =	rddreg [dreg:$0x1]  }
0x3: {  	s2 =	rddreg [dreg:$0x2]  }
0x4: {  	s17 =	rddreg [dreg:$0x3];
	s4 =	srdreg.scid  }
0x5: {  	s6 =	stileid.u32;
	s3 =	simm.s32 $0x0;
	s28 =	simm.s32 $0x3  }
0x6: {  	s30 =	simm.s32 $0x4;
	s31 =	simm.s32 $0x0;
	s4 =	sand.u32 $0x1, s4  }
0x7: {  	s5 =	sshll.u32 s6, $0x1;
	[smem:$0x7FF] =	sst s3;
	s22 =	sshrl.u32 s6, $0x1  }
0x8: {  	s14 =	sadd.s32 $0x1000, s2;
	s15 =	sadd.s32 $0x2000, s2;
	s8 =	sadd.s32 $0x400, s1  }
0x9: {  	s26 =	sadd.s32 $0x3000, s2;
	s16 =	sor.u32 s4, s5;
	_ =	strace $0x80000047  }
0xa: {  	s11 =	smul.u32 $0xC3800, s22;
	s4 =	ssub.s32 $0x2, s4;
	s12 =	sshll.u32 s22, $0x11  }
0xb: {  	s22 =	simm.s32 $0x1A700;
	s23 =	sshll.u32 s16, $0x8;
	s24 =	sshrl.u32 s4, $0x1  }
0xc: {  	s29 =	sshll.u32 s16, $0x4;
	s10 =	sand.u32 $0x300, s23;
	s18 =	ssub.s32 s4, s24  }
0xd: {  	s17 =	sadd.s32 s17, s29;
	s23 =	simm.s32 $0x1;
	s24 =	simm.s32 $0x19700  }
0xe: {  	s6 =	sor.u32 s11, s10;
	s7 =	sor.u32 s12, s10;
	s19 =	sor.u32 $0x80, s10  }
0xf: {  	s10 =	sadd.s32 $0x600, s1;
	s18 =	smax.u32 s18, $0x1;
	s25 =	sshrl.u32 s6, $0x3  }
0x10: {  	s13 =	sshrl.u32 s7, $0x3;
	s6 =	sadd.s32 $0x200, s1;
	s12 =	sor.u32 s12, s19  }
0x11: {  	s11 =	sor.u32 s11, s19;
	s19 =	simm.s32 $0x80;
	s4 =	sadd.s32 s0, s25  }
0x12: {  	s5 =	sadd.s32 s2, s13;
	s7 =	sadd.s32 s13, s14;
	s9 =	sadd.s32 s13, s15  }
0x13: {  	s20 =	sshrl.u32 s12, $0x3;
	s21 =	sshrl.u32 s11, $0x3;
	s11 =	sadd.s32 s13, s26  }
0x14: {  	s25 =	simm.s32 $0x1B700;
	s12 =	sadd.s32 s2, s20;
	s13 =	sadd.s32 s0, s21  }
0x15: {  	s14 =	sadd.s32 s20, s14;
	s15 =	sadd.s32 s20, s15;
	s16 =	sadd.s32 s20, s26  }
0x16: {  	s20 =	simm.s32 $0x400;
	s21 =	simm.s32 $0x18700;
	s26 =	simm.s32 $0x2  }
.LBB2_1:
0x17: {  	[tilespmem:s3], [sflag:$0x1] =	stream.strided.gather [hbm4b:s4+s19], $0x18700, s20, s19, $0x38;
	[tilespmem:$0x1C780] =	vst v63  }
0x18: {  	_ = 	snop  }
0x19: {  	[tilespmem:s21], [sflag:$0x2] =	stream.linear.gather [hbm4b:s1+s3], $0x1000, $0x38;
	[tilespmem:$0x1C780] =	vst v63  }
0x1a: {  	_ = 	snop  }
0x1b: {  	[tilespmem:s22], [sflag:$0x2] =	stream.strided.gather [hbm4b:s5+s19], $0x1000, s20, s19, $0x38;
	[tilespmem:$0x1C780] =	vst v63  }
0x1c: {  	_ =	swait.ge [sflag:s23], $0x18700  }
0x1d: {  	[sflag:s23] =	ssyncset.done $0x0  }
0x1e: {  	[sflag:s23] =	ssyncadd.s32 $0xFFFE7900  }
0x1f: {  	[tilespmem:s24], [sflag:$0x3] =	stream.linear.gather [hbm4b:s6+s3], $0x1000, $0x38;
	[tilespmem:$0x1C780] =	vst v63  }
0x20: {  	_ = 	snop  }
0x21: {  	[tilespmem:s25], [sflag:$0x3] =	stream.strided.gather [hbm4b:s7+s19], $0x1000, s20, s19, $0x38;
	[tilespmem:$0x1C780] =	vst v63  }
0x22: {  	_ =	swait.ge [sflag:s26], $0x1000  }
0x23: {  	[sflag:s26] =	ssyncset.done $0x0  }
0x24: {  	[sflag:s26] =	ssyncadd.s32 $0xFFFFF000  }
0x25: {  	_ =	swait.ge [sflag:s26], $0x1000  }
0x26: {  	[sflag:s26] =	ssyncset.done $0x0  }
0x27: {  	s0 =	simm.s32 $0x18740;
	[sflag:s26] =	ssyncadd.s32 $0xFFFFF000  }
0x28: {  	v0 =	vld [tilespmem:s0+$0x30]  }
0x29: {  	v1 =	vld [tilespmem:s0+$0xFFFFFFD0]  }
0x2a: {  	v2 =	vld [tilespmem:s0+$0xFFFFFFE0]  }
0x2b: {  	v3 =	vld [tilespmem:s0+$0xFFFFFFF0]  }
0x2c: {  	v4 =	vld [tilespmem:s0+$0x0]  }
0x2d: {  	v5 =	vld [tilespmem:s0+$0x10]  }
0x2e: {  	v6 =	vld [tilespmem:s0+$0xFFFFFFC0]  }
0x2f: {  	v7 =	vld [tilespmem:s0+$0x20];
	s0 =	simm.s32 $0x1A740  }
0x30: {  	v8 =	vld [tilespmem:s0+$0x30]  }
0x31: {  	v21 =	vld [tilespmem:s0+$0xFFFFFFE0]  }
0x32: {  	v0 =	vld.idx.msk [tilespmem:v0+s3+$0x0], $0xffff  }
0x33: {  	v9 =	vld.idx.msk [tilespmem:v1+s3+$0x0], $0xffff  }
0x34: {  	v16 =	vld.idx.msk [tilespmem:v2+s3+$0x0], $0xffff  }
0x35: {  	v15 =	vld.idx.msk [tilespmem:v3+s3+$0x0], $0xffff  }
0x36: {  	v11 =	vld.idx.msk [tilespmem:v4+s3+$0x0], $0xffff  }
0x37: {  	v2 =	vld.idx.msk [tilespmem:v6+s3+$0x0], $0xffff  }
0x38: {  	v3 =	vld [tilespmem:s0+$0xFFFFFFC0]  }
0x39: {  	v4 =	vld [tilespmem:s0+$0xFFFFFFD0]  }
0x3a: {  	v20 =	vld [tilespmem:s0+$0xFFFFFFF0]  }
0x3b: {  	v19 =	vld [tilespmem:s0+$0x0];
	v0 =	vsub.f32 v8, v0  }
0x3c: {  	v12 =	vld.idx.msk [tilespmem:v5+s3+$0x0], $0xffff;
	v1 =	vimm.f32 $0.0e+00;
	v5 =	vimm.f32 $0.0e+00  }
0x3d: {  	v10 =	vld.idx.msk [tilespmem:v7+s3+$0x0], $0xffff;
	v6 =	vimm.f32 $0.0e+00;
	v7 =	vimm.f32 $0.0e+00;
	v0 =	vmul.f32 v0, v0  }
0x3e: {  	v17 =	vld [tilespmem:s0+$0x10];
	v8 =	vsub.f32 v3, v2;
	v22 =	vsub.f32 v4, v9;
	v2 =	vimm.f32 $0.0e+00  }
0x3f: {  	s2 =	simm.s32 $0x0;
	s29 =	simm.s32 $0x187C0;
	v18 =	vld [tilespmem:s0+$0x20];
	v3 =	vimm.f32 $0.0e+00;
	v4 =	vimm.f32 $0.0e+00;
	v0 =	vadd.f32 v0, v1  }
.LBB2_2:
0x40: {  	v9 =	vld [tilespmem:s29+$0x30];
	s2 =	sadd.s32 $0x80, s2;
	v8 =	vmul.f32 v8, v8;
	v13 =	vsub.f32 v21, v16  }
0x41: {  	v14 =	vld [tilespmem:s29+$0xFFFFFFD0];
	p0 =	slt.u32 s2, $0xF80;
	v16 =	vmul.f32 v22, v22;
	v15 =	vsub.f32 v20, v15  }
0x42: {  	v20 =	vld [tilespmem:s29+$0xFFFFFFE0];
	v1 =	vadd.f32 v8, v1;
	v8 =	vmul.f32 v13, v13;
	v11 =	vsub.f32 v19, v11  }
0x43: {  	v13 =	vld [tilespmem:s29+$0xFFFFFFF0];
	v2 =	vadd.f32 v16, v2;
	v15 =	vmul.f32 v15, v15;
	v12 =	vsub.f32 v17, v12  }
0x44: {  	v17 =	vld [tilespmem:s29+$0x0];
	v3 =	vadd.f32 v8, v3;
	v8 =	vmul.f32 v11, v11;
	v10 =	vsub.f32 v18, v10  }
0x45: {  	v18 =	vld [tilespmem:s29+$0x10];
	v4 =	vadd.f32 v15, v4;
	v11 =	vmul.f32 v12, v12  }
0x46: {  	v19 =	vld [tilespmem:s29+$0x20];
	v5 =	vadd.f32 v8, v5;
	v8 =	vmul.f32 v10, v10  }
0x47: {  	v10 =	vld [tilespmem:s29+$0xFFFFFFC0];
	v6 =	vadd.f32 v11, v6  }
0x48: {  	s0 =	sadd.s32 $0x80, s0;
	v9 =	vld.idx.msk [tilespmem:v9+s3+$0x0], $0xffff;
	v7 =	vadd.f32 v8, v7  }
0x49: {  	v8 =	vld [tilespmem:s0+$0x30]  }
0x4a: {  	v14 =	vld.idx.msk [tilespmem:v14+s3+$0x0], $0xffff  }
0x4b: {  	v16 =	vld.idx.msk [tilespmem:v20+s3+$0x0], $0xffff  }
0x4c: {  	v15 =	vld.idx.msk [tilespmem:v13+s3+$0x0], $0xffff  }
0x4d: {  	v11 =	vld.idx.msk [tilespmem:v17+s3+$0x0], $0xffff  }
0x4e: {  	v12 =	vld.idx.msk [tilespmem:v18+s3+$0x0], $0xffff;
	v8 =	vsub.f32 v8, v9  }
0x4f: {  	v9 =	vld.idx.msk [tilespmem:v10+s3+$0x0], $0xffff  }
0x50: {  	v10 =	vld.idx.msk [tilespmem:v19+s3+$0x0], $0xffff;
	v8 =	vmul.f32 v8, v8  }
0x51: {  	v13 =	vld [tilespmem:s0+$0xFFFFFFC0]  }
0x52: {  	v18 =	vld [tilespmem:s0+$0xFFFFFFD0];
	v0 =	vadd.f32 v8, v0  }
.Ltmp0:
0x53: {  	v21 =	vld [tilespmem:s0+$0xFFFFFFE0];
	(pc) =	sbr.rel @p0 .LBB2_2-.Ltmp0, $4  }
0x54: {  	v20 =	vld [tilespmem:s0+$0xFFFFFFF0]  }
0x55: {  	v19 =	vld [tilespmem:s0+$0x0]  }
0x56: {  	v8 =	vsub.f32 v13, v9;
	v17 =	vld [tilespmem:s0+$0x10]  }
0x57: {  	s29 =	sadd.s32 $0x80, s29;
	v22 =	vsub.f32 v18, v14;
	v18 =	vld [tilespmem:s0+$0x20]  }
0x58: {  	[tilespmem:s21], [sflag:$0x2] =	stream.linear.gather [hbm4b:s8+s3], $0x1000, $0x38;
	[tilespmem:$0x1C780] =	vst v63  }
0x59: {  	_ = 	snop  }
0x5a: {  	[tilespmem:s22], [sflag:$0x2] =	stream.strided.gather [hbm4b:s9+s19], $0x1000, s20, s19, $0x38;
	[tilespmem:$0x1C780] =	vst v63  }
0x5b: {  	_ =	swait.ge [sflag:s28], $0x1000  }
0x5c: {  	[sflag:s28] =	ssyncset.done $0x0  }
0x5d: {  	[sflag:s28] =	ssyncadd.s32 $0xFFFFF000  }
0x5e: {  	_ =	swait.ge [sflag:s28], $0x1000  }
0x5f: {  	[sflag:s28] =	ssyncset.done $0x0  }
0x60: {  	s0 =	simm.s32 $0x19740;
	[sflag:s28] =	ssyncadd.s32 $0xFFFFF000  }
0x61: {  	v9 =	vld [tilespmem:s0+$0x30]  }
0x62: {  	v13 =	vld [tilespmem:s0+$0xFFFFFFD0]  }
0x63: {  	v14 =	vld [tilespmem:s0+$0xFFFFFFE0]  }
0x64: {  	v23 =	vld [tilespmem:s0+$0xFFFFFFF0]  }
0x65: {  	v24 =	vld [tilespmem:s0+$0x0]  }
0x66: {  	v25 =	vld [tilespmem:s0+$0x10]  }
0x67: {  	v26 =	vld [tilespmem:s0+$0x20]  }
0x68: {  	v27 =	vld [tilespmem:s0+$0xFFFFFFC0];
	s0 =	simm.s32 $0x1B740  }
0x69: {  	v16 =	vsub.f32 v21, v16;
	v15 =	vsub.f32 v20, v15;
	v20 =	vmul.f32 v22, v22;
	v29 =	vld [tilespmem:s0+$0x30]  }
0x6a: {  	v12 =	vsub.f32 v17, v12;
	v17 =	vld [tilespmem:s0+$0xFFFFFFC0]  }
0x6b: {  	v19 =	vsub.f32 v19, v11;
	v16 =	vmul.f32 v16, v16;
	v2 =	vadd.f32 v20, v2;
	v20 =	vld [tilespmem:s0+$0xFFFFFFE0]  }
0x6c: {  	v21 =	vld [tilespmem:s0+$0xFFFFFFF0]  }
0x6d: {  	v3 =	vadd.f32 v16, v3;
	v16 =	vmul.f32 v19, v19;
	v19 =	vld [tilespmem:s0+$0x0]  }
0x6e: {  	v28 =	vld.idx.msk [tilespmem:v9+s3+$0x0], $0xffff  }
0x6f: {  	v30 =	vld.idx.msk [tilespmem:v13+s3+$0x0], $0xffff  }
0x70: {  	v14 =	vld.idx.msk [tilespmem:v14+s3+$0x0], $0xffff  }
0x71: {  	v13 =	vld.idx.msk [tilespmem:v23+s3+$0x0], $0xffff;
	v23 =	vmul.f32 v8, v8  }
0x72: {  	v10 =	vsub.f32 v18, v10;
	v22 =	vld.idx.msk [tilespmem:v27+s3+$0x0], $0xffff  }
0x73: {  	v15 =	vmul.f32 v15, v15;
	v1 =	vadd.f32 v23, v1;
	v23 =	vld [tilespmem:s0+$0xFFFFFFD0];
	v18 =	vsub.f32 v29, v28  }
0x74: {  	v10 =	vmul.f32 v10, v10;
	v9 =	vld.idx.msk [tilespmem:v24+s3+$0x0], $0xffff  }
0x75: {  	v4 =	vadd.f32 v15, v4;
	v8 =	vld.idx.msk [tilespmem:v25+s3+$0x0], $0xffff;
	v15 =	vmul.f32 v18, v18  }
0x76: {  	v12 =	vmul.f32 v12, v12;
	v5 =	vadd.f32 v16, v5;
	v7 =	vadd.f32 v10, v7;
	v11 =	vld.idx.msk [tilespmem:v26+s3+$0x0], $0xffff  }
0x77: {  	v10 =	vsub.f32 v17, v22;
	v0 =	vadd.f32 v15, v0;
	v15 =	vld [tilespmem:s0+$0x10]  }
0x78: {  	s2 =	simm.s32 $0x0;
	s29 =	simm.s32 $0x197C0;
	v6 =	vadd.f32 v12, v6;
	v22 =	vsub.f32 v23, v30;
	v18 =	vld [tilespmem:s0+$0x20]  }
.LBB2_4:
0x79: {  	v12 =	vld [tilespmem:s29+$0x30];
	s2 =	sadd.s32 $0x80, s2;
	v10 =	vmul.f32 v10, v10;
	v14 =	vsub.f32 v20, v14  }
0x7a: {  	v16 =	vld [tilespmem:s29+$0xFFFFFFD0];
	p0 =	slt.u32 s2, $0xF80;
	v17 =	vmul.f32 v22, v22;
	v13 =	vsub.f32 v21, v13  }
0x7b: {  	v20 =	vld [tilespmem:s29+$0xFFFFFFE0];
	v1 =	vadd.f32 v10, v1;
	v10 =	vmul.f32 v14, v14;
	v9 =	vsub.f32 v19, v9  }
0x7c: {  	v19 =	vld [tilespmem:s29+$0xFFFFFFF0];
	v2 =	vadd.f32 v17, v2;
	v13 =	vmul.f32 v13, v13;
	v8 =	vsub.f32 v15, v8  }
0x7d: {  	v15 =	vld [tilespmem:s29+$0x0];
	v3 =	vadd.f32 v10, v3;
	v9 =	vmul.f32 v9, v9;
	v10 =	vsub.f32 v18, v11  }
0x7e: {  	v11 =	vld [tilespmem:s29+$0x10];
	v4 =	vadd.f32 v13, v4;
	v8 =	vmul.f32 v8, v8  }
0x7f: {  	v17 =	vld [tilespmem:s29+$0x20];
	v5 =	vadd.f32 v9, v5;
	v9 =	vmul.f32 v10, v10  }
0x80: {  	v10 =	vld [tilespmem:s29+$0xFFFFFFC0];
	v6 =	vadd.f32 v8, v6  }
0x81: {  	s0 =	sadd.s32 $0x80, s0;
	v12 =	vld.idx.msk [tilespmem:v12+s3+$0x0], $0xffff;
	v7 =	vadd.f32 v9, v7  }
0x82: {  	v18 =	vld [tilespmem:s0+$0x30]  }
0x83: {  	v16 =	vld.idx.msk [tilespmem:v16+s3+$0x0], $0xffff  }
0x84: {  	v14 =	vld.idx.msk [tilespmem:v20+s3+$0x0], $0xffff  }
0x85: {  	v13 =	vld.idx.msk [tilespmem:v19+s3+$0x0], $0xffff  }
0x86: {  	v9 =	vld.idx.msk [tilespmem:v15+s3+$0x0], $0xffff  }
0x87: {  	v8 =	vld.idx.msk [tilespmem:v11+s3+$0x0], $0xffff;
	v12 =	vsub.f32 v18, v12  }
0x88: {  	v10 =	vld.idx.msk [tilespmem:v10+s3+$0x0], $0xffff  }
0x89: {  	v11 =	vld.idx.msk [tilespmem:v17+s3+$0x0], $0xffff;
	v12 =	vmul.f32 v12, v12  }
0x8a: {  	v15 =	vld [tilespmem:s0+$0xFFFFFFC0]  }
0x8b: {  	v17 =	vld [tilespmem:s0+$0xFFFFFFD0];
	v0 =	vadd.f32 v12, v0  }
.Ltmp1:
0x8c: {  	v20 =	vld [tilespmem:s0+$0xFFFFFFE0];
	(pc) =	sbr.rel @p0 .LBB2_4-.Ltmp1, $4  }
0x8d: {  	v21 =	vld [tilespmem:s0+$0xFFFFFFF0]  }
0x8e: {  	v19 =	vld [tilespmem:s0+$0x0]  }
0x8f: {  	v10 =	vsub.f32 v15, v10;
	v15 =	vld [tilespmem:s0+$0x10]  }
0x90: {  	s29 =	sadd.s32 $0x80, s29;
	v22 =	vsub.f32 v17, v16;
	v18 =	vld [tilespmem:s0+$0x20]  }
0x91: {  	[tilespmem:s24], [sflag:$0x3] =	stream.linear.gather [hbm4b:s10+s3], $0x1000, $0x38;
	[tilespmem:$0x1C780] =	vst v63  }
0x92: {  	_ = 	snop  }
0x93: {  	[tilespmem:s25], [sflag:$0x3] =	stream.strided.gather [hbm4b:s11+s19], $0x1000, s20, s19, $0x38;
	[tilespmem:$0x1C780] =	vst v63  }
0x94: {  	_ =	swait.ge [sflag:s26], $0x1000  }
0x95: {  	[sflag:s26] =	ssyncset.done $0x0  }
0x96: {  	[sflag:s26] =	ssyncadd.s32 $0xFFFFF000  }
0x97: {  	_ =	swait.ge [sflag:s26], $0x1000  }
0x98: {  	[sflag:s26] =	ssyncset.done $0x0  }
0x99: {  	s0 =	simm.s32 $0x18740;
	[sflag:s26] =	ssyncadd.s32 $0xFFFFF000  }
0x9a: {  	v12 =	vld [tilespmem:s0+$0x30]  }
0x9b: {  	v16 =	vld [tilespmem:s0+$0xFFFFFFD0]  }
0x9c: {  	v17 =	vld [tilespmem:s0+$0xFFFFFFE0]  }
0x9d: {  	v23 =	vld [tilespmem:s0+$0xFFFFFFF0]  }
0x9e: {  	v24 =	vld [tilespmem:s0+$0x0]  }
0x9f: {  	v25 =	vld [tilespmem:s0+$0x10]  }
0xa0: {  	v26 =	vld [tilespmem:s0+$0x20]  }
0xa1: {  	v27 =	vld [tilespmem:s0+$0xFFFFFFC0];
	s0 =	simm.s32 $0x1A740  }
0xa2: {  	v14 =	vsub.f32 v20, v14;
	v20 =	vsub.f32 v21, v13;
	v21 =	vmul.f32 v22, v22;
	v29 =	vld [tilespmem:s0+$0x30]  }
0xa3: {  	v8 =	vsub.f32 v15, v8;
	v15 =	vld [tilespmem:s0+$0xFFFFFFC0]  }
0xa4: {  	v2 =	vadd.f32 v21, v2;
	v21 =	vld [tilespmem:s0+$0xFFFFFFE0]  }
0xa5: {  	v11 =	vsub.f32 v18, v11;
	v18 =	vmul.f32 v20, v20;
	v22 =	vld [tilespmem:s0+$0xFFFFFFF0]  }
0xa6: {  	v20 =	vld [tilespmem:s0+$0x0]  }
0xa7: {  	v4 =	vadd.f32 v18, v4;
	v18 =	vld [tilespmem:s0+$0x10]  }
0xa8: {  	v28 =	vld.idx.msk [tilespmem:v12+s3+$0x0], $0xffff  }
0xa9: {  	v30 =	vld.idx.msk [tilespmem:v16+s3+$0x0], $0xffff  }
0xaa: {  	v16 =	vld.idx.msk [tilespmem:v23+s3+$0x0], $0xffff;
	v23 =	vmul.f32 v10, v10  }
0xab: {  	v9 =	vsub.f32 v19, v9;
	v63 =	vld.idx.msk [tilespmem:v27+s3+$0x0], $0xffff  }
0xac: {  	v14 =	vmul.f32 v14, v14;
	v1 =	vadd.f32 v23, v1;
	v23 =	vld [tilespmem:s0+$0xFFFFFFD0]  }
0xad: {  	v9 =	vmul.f32 v9, v9;
	v8 =	vmul.f32 v8, v8;
	v17 =	vld.idx.msk [tilespmem:v17+s3+$0x0], $0xffff;
	v19 =	vsub.f32 v29, v28  }
0xae: {  	v3 =	vadd.f32 v14, v3;
	v11 =	vmul.f32 v11, v11;
	v12 =	vld.idx.msk [tilespmem:v24+s3+$0x0], $0xffff  }
0xaf: {  	v5 =	vadd.f32 v9, v5;
	v6 =	vadd.f32 v8, v6;
	v10 =	vld.idx.msk [tilespmem:v25+s3+$0x0], $0xffff;
	v14 =	vmul.f32 v19, v19  }
0xb0: {  	v7 =	vadd.f32 v11, v7;
	v13 =	vld.idx.msk [tilespmem:v26+s3+$0x0], $0xffff;
	v9 =	vsub.f32 v15, v63  }
0xb1: {  	s2 =	simm.s32 $0x0;
	s29 =	simm.s32 $0x187C0;
	v19 =	vld [tilespmem:s0+$0x20];
	v8 =	vadd.f32 v14, v0;
	v0 =	vsub.f32 v23, v30  }
.LBB2_6:
0xb2: {  	v11 =	vld [tilespmem:s29+$0x30];
	s2 =	sadd.s32 $0x80, s2;
	v9 =	vmul.f32 v9, v9;
	v14 =	vsub.f32 v21, v17  }
0xb3: {  	v15 =	vld [tilespmem:s29+$0xFFFFFFD0];
	p0 =	slt.u32 s2, $0xF80;
	v0 =	vmul.f32 v0, v0;
	v16 =	vsub.f32 v22, v16  }
0xb4: {  	v17 =	vld [tilespmem:s29+$0xFFFFFFE0];
	v1 =	vadd.f32 v9, v1;
	v9 =	vmul.f32 v14, v14;
	v12 =	vsub.f32 v20, v12  }
0xb5: {  	v14 =	vld [tilespmem:s29+$0xFFFFFFF0];
	v2 =	vadd.f32 v0, v2;
	v0 =	vmul.f32 v16, v16;
	v10 =	vsub.f32 v18, v10  }
0xb6: {  	v18 =	vld [tilespmem:s29+$0x0];
	v3 =	vadd.f32 v9, v3;
	v9 =	vmul.f32 v12, v12;
	v12 =	vsub.f32 v19, v13  }
0xb7: {  	v13 =	vld [tilespmem:s29+$0x10];
	v4 =	vadd.f32 v0, v4;
	v0 =	vmul.f32 v10, v10  }
0xb8: {  	v19 =	vld [tilespmem:s29+$0x20];
	v5 =	vadd.f32 v9, v5;
	v9 =	vmul.f32 v12, v12  }
0xb9: {  	v20 =	vld [tilespmem:s29+$0xFFFFFFC0];
	v6 =	vadd.f32 v0, v6  }
0xba: {  	s0 =	sadd.s32 $0x80, s0;
	v0 =	vld.idx.msk [tilespmem:v11+s3+$0x0], $0xffff;
	v7 =	vadd.f32 v9, v7  }
0xbb: {  	v9 =	vld [tilespmem:s0+$0x30]  }
0xbc: {  	v11 =	vld.idx.msk [tilespmem:v15+s3+$0x0], $0xffff  }
0xbd: {  	v17 =	vld.idx.msk [tilespmem:v17+s3+$0x0], $0xffff  }
0xbe: {  	v16 =	vld.idx.msk [tilespmem:v14+s3+$0x0], $0xffff  }
0xbf: {  	v12 =	vld.idx.msk [tilespmem:v18+s3+$0x0], $0xffff  }
0xc0: {  	v10 =	vld.idx.msk [tilespmem:v13+s3+$0x0], $0xffff;
	v0 =	vsub.f32 v9, v0  }
0xc1: {  	v9 =	vld.idx.msk [tilespmem:v20+s3+$0x0], $0xffff  }
0xc2: {  	v13 =	vld.idx.msk [tilespmem:v19+s3+$0x0], $0xffff;
	v0 =	vmul.f32 v0, v0  }
0xc3: {  	v14 =	vld [tilespmem:s0+$0xFFFFFFC0]  }
0xc4: {  	v15 =	vld [tilespmem:s0+$0xFFFFFFD0];
	v8 =	vadd.f32 v0, v8  }
.Ltmp2:
0xc5: {  	v21 =	vld [tilespmem:s0+$0xFFFFFFE0];
	(pc) =	sbr.rel @p0 .LBB2_6-.Ltmp2, $4  }
0xc6: {  	v22 =	vld [tilespmem:s0+$0xFFFFFFF0]  }
0xc7: {  	v20 =	vld [tilespmem:s0+$0x0]  }
0xc8: {  	v9 =	vsub.f32 v14, v9;
	v18 =	vld [tilespmem:s0+$0x10]  }
0xc9: {  	s29 =	sadd.s32 $0x80, s29;
	v0 =	vsub.f32 v15, v11;
	v19 =	vld [tilespmem:s0+$0x20]  }
0xca: {  	[tilespmem:s21], [sflag:$0x2] =	stream.linear.gather [hbm4b:s1+s3], $0x1000, $0x38;
	[tilespmem:$0x1C780] =	vst v63  }
0xcb: {  	_ = 	snop  }
0xcc: {  	[tilespmem:s22], [sflag:$0x2] =	stream.strided.gather [hbm4b:s12+s19], $0x1000, s20, s19, $0x38;
	[tilespmem:$0x1C780] =	vst v63  }
0xcd: {  	_ =	swait.ge [sflag:s28], $0x1000  }
0xce: {  	[sflag:s28] =	ssyncset.done $0x0  }
0xcf: {  	[sflag:s28] =	ssyncadd.s32 $0xFFFFF000  }
0xd0: {  	_ =	swait.ge [sflag:s28], $0x1000  }
0xd1: {  	[sflag:s28] =	ssyncset.done $0x0  }
0xd2: {  	s0 =	simm.s32 $0x19740;
	[sflag:s28] =	ssyncadd.s32 $0xFFFFF000  }
0xd3: {  	v11 =	vld [tilespmem:s0+$0x30]  }
0xd4: {  	v14 =	vld [tilespmem:s0+$0xFFFFFFD0]  }
0xd5: {  	v15 =	vld [tilespmem:s0+$0xFFFFFFE0]  }
0xd6: {  	v23 =	vld [tilespmem:s0+$0xFFFFFFF0]  }
0xd7: {  	v24 =	vld [tilespmem:s0+$0x0]  }
0xd8: {  	v25 =	vld [tilespmem:s0+$0x10]  }
0xd9: {  	v26 =	vld [tilespmem:s0+$0x20]  }
0xda: {  	v27 =	vld [tilespmem:s0+$0xFFFFFFC0];
	s0 =	simm.s32 $0x1B740  }
0xdb: {  	v20 =	vsub.f32 v20, v12;
	v29 =	vld [tilespmem:s0+$0x30]  }
0xdc: {  	v10 =	vsub.f32 v18, v10;
	v18 =	vld [tilespmem:s0+$0xFFFFFFC0]  }
0xdd: {  	v13 =	vsub.f32 v19, v13;
	v19 =	vmul.f32 v20, v20;
	v20 =	vld [tilespmem:s0+$0xFFFFFFE0]  }
0xde: {  	v28 =	vld.idx.msk [tilespmem:v11+s3+$0x0], $0xffff  }
0xdf: {  	v30 =	vld.idx.msk [tilespmem:v14+s3+$0x0], $0xffff  }
0xe0: {  	v15 =	vld.idx.msk [tilespmem:v15+s3+$0x0], $0xffff  }
0xe1: {  	v14 =	vld.idx.msk [tilespmem:v23+s3+$0x0], $0xffff  }
0xe2: {  	v17 =	vsub.f32 v21, v17;
	v21 =	vmul.f32 v0, v0;
	v11 =	vld.idx.msk [tilespmem:v24+s3+$0x0], $0xffff;
	v23 =	vmul.f32 v9, v9  }
0xe3: {  	v16 =	vsub.f32 v22, v16;
	v9 =	vld.idx.msk [tilespmem:v25+s3+$0x0], $0xffff  }
0xe4: {  	v22 =	vld.idx.msk [tilespmem:v27+s3+$0x0], $0xffff;
	v0 =	vadd.f32 v23, v1;
	v1 =	vadd.f32 v21, v2;
	v2 =	vmul.f32 v17, v17  }
0xe5: {  	v16 =	vmul.f32 v16, v16;
	v23 =	vld [tilespmem:s0+$0xFFFFFFD0];
	v17 =	vsub.f32 v29, v28  }
0xe6: {  	v10 =	vmul.f32 v10, v10;
	v13 =	vmul.f32 v13, v13;
	v12 =	vld.idx.msk [tilespmem:v26+s3+$0x0], $0xffff;
	v2 =	vadd.f32 v2, v3  }
0xe7: {  	v21 =	vld [tilespmem:s0+$0xFFFFFFF0];
	v3 =	vadd.f32 v16, v4;
	v4 =	vadd.f32 v19, v5;
	v16 =	vmul.f32 v17, v17  }
0xe8: {  	v5 =	vadd.f32 v10, v6;
	v19 =	vld [tilespmem:s0+$0x0];
	v6 =	vadd.f32 v13, v7  }
0xe9: {  	v17 =	vld [tilespmem:s0+$0x10];
	v7 =	vadd.f32 v16, v8;
	v8 =	vsub.f32 v18, v22  }
0xea: {  	s2 =	simm.s32 $0x0;
	s29 =	simm.s32 $0x197C0;
	v22 =	vsub.f32 v23, v30;
	v18 =	vld [tilespmem:s0+$0x20]  }
.LBB2_8:
0xeb: {  	v10 =	vld [tilespmem:s29+$0x30];
	s2 =	sadd.s32 $0x80, s2;
	v8 =	vmul.f32 v8, v8;
	v13 =	vsub.f32 v20, v15  }
0xec: {  	v15 =	vld [tilespmem:s29+$0xFFFFFFD0];
	p0 =	slt.u32 s2, $0xF80;
	v16 =	vmul.f32 v22, v22;
	v14 =	vsub.f32 v21, v14  }
0xed: {  	v20 =	vld [tilespmem:s29+$0xFFFFFFE0];
	v0 =	vadd.f32 v8, v0;
	v8 =	vmul.f32 v13, v13;
	v11 =	vsub.f32 v19, v11  }
0xee: {  	v13 =	vld [tilespmem:s29+$0xFFFFFFF0];
	v1 =	vadd.f32 v16, v1;
	v14 =	vmul.f32 v14, v14;
	v9 =	vsub.f32 v17, v9  }
0xef: {  	v16 =	vld [tilespmem:s29+$0x0];
	v2 =	vadd.f32 v8, v2;
	v8 =	vmul.f32 v11, v11;
	v11 =	vsub.f32 v18, v12  }
0xf0: {  	v12 =	vld [tilespmem:s29+$0x10];
	v3 =	vadd.f32 v14, v3;
	v9 =	vmul.f32 v9, v9  }
0xf1: {  	v17 =	vld [tilespmem:s29+$0x20];
	v4 =	vadd.f32 v8, v4;
	v8 =	vmul.f32 v11, v11  }
0xf2: {  	v18 =	vld [tilespmem:s29+$0xFFFFFFC0];
	v5 =	vadd.f32 v9, v5  }
0xf3: {  	s0 =	sadd.s32 $0x80, s0;
	v10 =	vld.idx.msk [tilespmem:v10+s3+$0x0], $0xffff;
	v6 =	vadd.f32 v8, v6  }
0xf4: {  	v8 =	vld [tilespmem:s0+$0x30]  }
0xf5: {  	v22 =	vld.idx.msk [tilespmem:v15+s3+$0x0], $0xffff  }
0xf6: {  	v15 =	vld.idx.msk [tilespmem:v20+s3+$0x0], $0xffff  }
0xf7: {  	v14 =	vld.idx.msk [tilespmem:v13+s3+$0x0], $0xffff  }
0xf8: {  	v11 =	vld.idx.msk [tilespmem:v16+s3+$0x0], $0xffff  }
0xf9: {  	v9 =	vld.idx.msk [tilespmem:v12+s3+$0x0], $0xffff;
	v8 =	vsub.f32 v8, v10  }
0xfa: {  	v10 =	vld.idx.msk [tilespmem:v18+s3+$0x0], $0xffff  }
0xfb: {  	v12 =	vld.idx.msk [tilespmem:v17+s3+$0x0], $0xffff;
	v8 =	vmul.f32 v8, v8  }
0xfc: {  	v13 =	vld [tilespmem:s0+$0xFFFFFFC0]  }
0xfd: {  	v16 =	vld [tilespmem:s0+$0xFFFFFFD0];
	v7 =	vadd.f32 v8, v7  }
.Ltmp3:
0xfe: {  	v20 =	vld [tilespmem:s0+$0xFFFFFFE0];
	(pc) =	sbr.rel @p0 .LBB2_8-.Ltmp3, $4  }
0xff: {  	v21 =	vld [tilespmem:s0+$0xFFFFFFF0]  }
0x100: {  	v19 =	vld [tilespmem:s0+$0x0]  }
0x101: {  	v8 =	vsub.f32 v13, v10;
	v17 =	vld [tilespmem:s0+$0x10]  }
0x102: {  	s29 =	sadd.s32 $0x80, s29;
	v22 =	vsub.f32 v16, v22;
	v18 =	vld [tilespmem:s0+$0x20]  }
0x103: {  	[tilespmem:s3], [sflag:$0x1] =	stream.strided.gather [hbm4b:s13+s19], $0x18700, s20, s19, $0x38;
	[tilespmem:$0x1C780] =	vst v63  }
0x104: {  	_ =	swait.ge [sflag:s23], $0x18700  }
0x105: {  	[sflag:s23] =	ssyncset.done $0x0  }
0x106: {  	[sflag:s23] =	ssyncadd.s32 $0xFFFE7900  }
0x107: {  	[tilespmem:s24], [sflag:$0x3] =	stream.linear.gather [hbm4b:s6+s3], $0x1000, $0x38;
	[tilespmem:$0x1C780] =	vst v63  }
0x108: {  	_ = 	snop  }
0x109: {  	[tilespmem:s25], [sflag:$0x3] =	stream.strided.gather [hbm4b:s14+s19], $0x1000, s20, s19, $0x38;
	[tilespmem:$0x1C780] =	vst v63  }
0x10a: {  	_ =	swait.ge [sflag:s26], $0x1000  }
0x10b: {  	[sflag:s26] =	ssyncset.done $0x0  }
0x10c: {  	[sflag:s26] =	ssyncadd.s32 $0xFFFFF000  }
0x10d: {  	_ =	swait.ge [sflag:s26], $0x1000  }
0x10e: {  	[sflag:s26] =	ssyncset.done $0x0  }
0x10f: {  	s0 =	simm.s32 $0x18740;
	[sflag:s26] =	ssyncadd.s32 $0xFFFFF000  }
0x110: {  	v10 =	vld [tilespmem:s0+$0x30]  }
0x111: {  	v13 =	vld [tilespmem:s0+$0xFFFFFFD0]  }
0x112: {  	v16 =	vld [tilespmem:s0+$0xFFFFFFE0]  }
0x113: {  	v23 =	vld [tilespmem:s0+$0xFFFFFFF0]  }
0x114: {  	v24 =	vld [tilespmem:s0+$0x0]  }
0x115: {  	v25 =	vld [tilespmem:s0+$0x10]  }
0x116: {  	v26 =	vld [tilespmem:s0+$0x20]  }
0x117: {  	v27 =	vld [tilespmem:s0+$0xFFFFFFC0];
	s0 =	simm.s32 $0x1A740  }
0x118: {  	v15 =	vsub.f32 v20, v15;
	v20 =	vmul.f32 v22, v22;
	v29 =	vld [tilespmem:s0+$0x30]  }
0x119: {  	v12 =	vsub.f32 v18, v12;
	v18 =	vld [tilespmem:s0+$0xFFFFFFD0]  }
0x11a: {  	v19 =	vsub.f32 v19, v11;
	v15 =	vmul.f32 v15, v15;
	v1 =	vadd.f32 v20, v1;
	v20 =	vld [tilespmem:s0+$0xFFFFFFE0]  }
0x11b: {  	v14 =	vsub.f32 v21, v14;
	v21 =	vld [tilespmem:s0+$0xFFFFFFF0]  }
0x11c: {  	v2 =	vadd.f32 v15, v2;
	v15 =	vmul.f32 v19, v19;
	v19 =	vld [tilespmem:s0+$0x0]  }
0x11d: {  	v28 =	vld.idx.msk [tilespmem:v10+s3+$0x0], $0xffff  }
0x11e: {  	v30 =	vld.idx.msk [tilespmem:v13+s3+$0x0], $0xffff  }
0x11f: {  	v13 =	vld.idx.msk [tilespmem:v23+s3+$0x0], $0xffff;
	v23 =	vmul.f32 v8, v8  }
0x120: {  	v22 =	vld.idx.msk [tilespmem:v27+s3+$0x0], $0xffff  }
0x121: {  	v9 =	vsub.f32 v17, v9;
	v0 =	vadd.f32 v23, v0;
	v23 =	vld [tilespmem:s0+$0xFFFFFFC0]  }
0x122: {  	v14 =	vmul.f32 v14, v14;
	v16 =	vld.idx.msk [tilespmem:v16+s3+$0x0], $0xffff  }
0x123: {  	v9 =	vmul.f32 v9, v9;
	v10 =	vld.idx.msk [tilespmem:v24+s3+$0x0], $0xffff;
	v17 =	vsub.f32 v29, v28  }
0x124: {  	v3 =	vadd.f32 v14, v3;
	v12 =	vmul.f32 v12, v12;
	v8 =	vld.idx.msk [tilespmem:v25+s3+$0x0], $0xffff  }
0x125: {  	v4 =	vadd.f32 v15, v4;
	v5 =	vadd.f32 v9, v5;
	v11 =	vld.idx.msk [tilespmem:v26+s3+$0x0], $0xffff;
	v14 =	vmul.f32 v17, v17  }
0x126: {  	v6 =	vadd.f32 v12, v6;
	v17 =	vld [tilespmem:s0+$0x10];
	v9 =	vsub.f32 v23, v22  }
0x127: {  	s2 =	simm.s32 $0x0;
	s29 =	simm.s32 $0x187C0;
	v22 =	vsub.f32 v18, v30;
	v18 =	vld [tilespmem:s0+$0x20];
	v7 =	vadd.f32 v14, v7  }
.LBB2_10:
0x128: {  	v12 =	vld [tilespmem:s29+$0x30];
	s2 =	sadd.s32 $0x80, s2;
	v9 =	vmul.f32 v9, v9;
	v14 =	vsub.f32 v20, v16  }
0x129: {  	v15 =	vld [tilespmem:s29+$0xFFFFFFD0];
	p0 =	slt.u32 s2, $0xF80;
	v16 =	vmul.f32 v22, v22;
	v13 =	vsub.f32 v21, v13  }
0x12a: {  	v20 =	vld [tilespmem:s29+$0xFFFFFFE0];
	v0 =	vadd.f32 v9, v0;
	v9 =	vmul.f32 v14, v14;
	v10 =	vsub.f32 v19, v10  }
0x12b: {  	v14 =	vld [tilespmem:s29+$0xFFFFFFF0];
	v1 =	vadd.f32 v16, v1;
	v13 =	vmul.f32 v13, v13;
	v8 =	vsub.f32 v17, v8  }
0x12c: {  	v17 =	vld [tilespmem:s29+$0x0];
	v2 =	vadd.f32 v9, v2;
	v9 =	vmul.f32 v10, v10;
	v10 =	vsub.f32 v18, v11  }
0x12d: {  	v11 =	vld [tilespmem:s29+$0x10];
	v3 =	vadd.f32 v13, v3;
	v8 =	vmul.f32 v8, v8  }
0x12e: {  	v18 =	vld [tilespmem:s29+$0x20];
	v4 =	vadd.f32 v9, v4;
	v9 =	vmul.f32 v10, v10  }
0x12f: {  	v19 =	vld [tilespmem:s29+$0xFFFFFFC0];
	v5 =	vadd.f32 v8, v5  }
0x130: {  	s0 =	sadd.s32 $0x80, s0;
	v12 =	vld.idx.msk [tilespmem:v12+s3+$0x0], $0xffff;
	v6 =	vadd.f32 v9, v6  }
0x131: {  	v9 =	vld [tilespmem:s0+$0x30]  }
0x132: {  	v15 =	vld.idx.msk [tilespmem:v15+s3+$0x0], $0xffff  }
0x133: {  	v16 =	vld.idx.msk [tilespmem:v20+s3+$0x0], $0xffff  }
0x134: {  	v13 =	vld.idx.msk [tilespmem:v14+s3+$0x0], $0xffff  }
0x135: {  	v10 =	vld.idx.msk [tilespmem:v17+s3+$0x0], $0xffff  }
0x136: {  	v8 =	vld.idx.msk [tilespmem:v11+s3+$0x0], $0xffff;
	v9 =	vsub.f32 v9, v12  }
0x137: {  	v12 =	vld.idx.msk [tilespmem:v19+s3+$0x0], $0xffff  }
0x138: {  	v11 =	vld.idx.msk [tilespmem:v18+s3+$0x0], $0xffff;
	v9 =	vmul.f32 v9, v9  }
0x139: {  	v14 =	vld [tilespmem:s0+$0xFFFFFFC0]  }
0x13a: {  	v18 =	vld [tilespmem:s0+$0xFFFFFFD0];
	v7 =	vadd.f32 v9, v7  }
.Ltmp4:
0x13b: {  	v20 =	vld [tilespmem:s0+$0xFFFFFFE0];
	(pc) =	sbr.rel @p0 .LBB2_10-.Ltmp4, $4  }
0x13c: {  	v21 =	vld [tilespmem:s0+$0xFFFFFFF0]  }
0x13d: {  	v19 =	vld [tilespmem:s0+$0x0]  }
0x13e: {  	v9 =	vsub.f32 v14, v12;
	v17 =	vld [tilespmem:s0+$0x10]  }
0x13f: {  	s29 =	sadd.s32 $0x80, s29;
	v22 =	vsub.f32 v18, v15;
	v18 =	vld [tilespmem:s0+$0x20]  }
0x140: {  	[tilespmem:s21], [sflag:$0x2] =	stream.linear.gather [hbm4b:s8+s3], $0x1000, $0x38;
	[tilespmem:$0x1C780] =	vst v63  }
0x141: {  	_ = 	snop  }
0x142: {  	[tilespmem:s22], [sflag:$0x2] =	stream.strided.gather [hbm4b:s15+s19], $0x1000, s20, s19, $0x38;
	[tilespmem:$0x1C780] =	vst v63  }
0x143: {  	_ =	swait.ge [sflag:s28], $0x1000  }
0x144: {  	[sflag:s28] =	ssyncset.done $0x0  }
0x145: {  	[sflag:s28] =	ssyncadd.s32 $0xFFFFF000  }
0x146: {  	_ =	swait.ge [sflag:s28], $0x1000  }
0x147: {  	[sflag:s28] =	ssyncset.done $0x0  }
0x148: {  	s0 =	simm.s32 $0x19740;
	[sflag:s28] =	ssyncadd.s32 $0xFFFFF000  }
0x149: {  	v12 =	vld [tilespmem:s0+$0x30]  }
0x14a: {  	v14 =	vld [tilespmem:s0+$0xFFFFFFD0]  }
0x14b: {  	v15 =	vld [tilespmem:s0+$0xFFFFFFE0]  }
0x14c: {  	v23 =	vld [tilespmem:s0+$0xFFFFFFF0]  }
0x14d: {  	v24 =	vld [tilespmem:s0+$0x0]  }
0x14e: {  	v25 =	vld [tilespmem:s0+$0x10]  }
0x14f: {  	v26 =	vld [tilespmem:s0+$0x20]  }
0x150: {  	v27 =	vld [tilespmem:s0+$0xFFFFFFC0];
	s0 =	simm.s32 $0x1B740  }
0x151: {  	v16 =	vsub.f32 v20, v16;
	v20 =	vmul.f32 v22, v22;
	v29 =	vld [tilespmem:s0+$0x30]  }
0x152: {  	v11 =	vsub.f32 v18, v11;
	v18 =	vld [tilespmem:s0+$0xFFFFFFD0]  }
0x153: {  	v19 =	vsub.f32 v19, v10;
	v16 =	vmul.f32 v16, v16;
	v1 =	vadd.f32 v20, v1;
	v20 =	vld [tilespmem:s0+$0xFFFFFFE0]  }
0x154: {  	v13 =	vsub.f32 v21, v13;
	v21 =	vld [tilespmem:s0+$0xFFFFFFF0]  }
0x155: {  	v2 =	vadd.f32 v16, v2;
	v16 =	vmul.f32 v19, v19;
	v19 =	vld [tilespmem:s0+$0x0]  }
0x156: {  	v28 =	vld.idx.msk [tilespmem:v12+s3+$0x0], $0xffff  }
0x157: {  	v30 =	vld.idx.msk [tilespmem:v14+s3+$0x0], $0xffff  }
0x158: {  	v14 =	vld.idx.msk [tilespmem:v23+s3+$0x0], $0xffff;
	v23 =	vmul.f32 v9, v9  }
0x159: {  	v22 =	vld.idx.msk [tilespmem:v27+s3+$0x0], $0xffff  }
0x15a: {  	v8 =	vsub.f32 v17, v8;
	v0 =	vadd.f32 v23, v0;
	v23 =	vld [tilespmem:s0+$0xFFFFFFC0]  }
0x15b: {  	v13 =	vmul.f32 v13, v13;
	v15 =	vld.idx.msk [tilespmem:v15+s3+$0x0], $0xffff  }
0x15c: {  	v8 =	vmul.f32 v8, v8;
	v12 =	vld.idx.msk [tilespmem:v24+s3+$0x0], $0xffff;
	v17 =	vsub.f32 v29, v28  }
0x15d: {  	v3 =	vadd.f32 v13, v3;
	v11 =	vmul.f32 v11, v11;
	v9 =	vld.idx.msk [tilespmem:v25+s3+$0x0], $0xffff  }
0x15e: {  	v4 =	vadd.f32 v16, v4;
	v5 =	vadd.f32 v8, v5;
	v10 =	vld.idx.msk [tilespmem:v26+s3+$0x0], $0xffff;
	v13 =	vmul.f32 v17, v17  }
0x15f: {  	v6 =	vadd.f32 v11, v6;
	v17 =	vld [tilespmem:s0+$0x10];
	v8 =	vsub.f32 v23, v22  }
0x160: {  	s2 =	simm.s32 $0x0;
	s29 =	simm.s32 $0x197C0;
	v22 =	vsub.f32 v18, v30;
	v18 =	vld [tilespmem:s0+$0x20];
	v7 =	vadd.f32 v13, v7  }
.LBB2_12:
0x161: {  	v11 =	vld [tilespmem:s29+$0x30];
	s2 =	sadd.s32 $0x80, s2;
	v8 =	vmul.f32 v8, v8;
	v13 =	vsub.f32 v20, v15  }
0x162: {  	v15 =	vld [tilespmem:s29+$0xFFFFFFD0];
	p0 =	slt.u32 s2, $0xF80;
	v16 =	vmul.f32 v22, v22;
	v14 =	vsub.f32 v21, v14  }
0x163: {  	v20 =	vld [tilespmem:s29+$0xFFFFFFE0];
	v0 =	vadd.f32 v8, v0;
	v8 =	vmul.f32 v13, v13;
	v12 =	vsub.f32 v19, v12  }
0x164: {  	v13 =	vld [tilespmem:s29+$0xFFFFFFF0];
	v1 =	vadd.f32 v16, v1;
	v14 =	vmul.f32 v14, v14;
	v9 =	vsub.f32 v17, v9  }
0x165: {  	v16 =	vld [tilespmem:s29+$0x0];
	v2 =	vadd.f32 v8, v2;
	v8 =	vmul.f32 v12, v12;
	v10 =	vsub.f32 v18, v10  }
0x166: {  	v17 =	vld [tilespmem:s29+$0x10];
	v3 =	vadd.f32 v14, v3;
	v9 =	vmul.f32 v9, v9  }
0x167: {  	v18 =	vld [tilespmem:s29+$0x20];
	v4 =	vadd.f32 v8, v4;
	v8 =	vmul.f32 v10, v10  }
0x168: {  	v10 =	vld [tilespmem:s29+$0xFFFFFFC0];
	v5 =	vadd.f32 v9, v5  }
0x169: {  	s0 =	sadd.s32 $0x80, s0;
	v11 =	vld.idx.msk [tilespmem:v11+s3+$0x0], $0xffff;
	v6 =	vadd.f32 v8, v6  }
0x16a: {  	v8 =	vld [tilespmem:s0+$0x30]  }
0x16b: {  	v22 =	vld.idx.msk [tilespmem:v15+s3+$0x0], $0xffff  }
0x16c: {  	v15 =	vld.idx.msk [tilespmem:v20+s3+$0x0], $0xffff  }
0x16d: {  	v14 =	vld.idx.msk [tilespmem:v13+s3+$0x0], $0xffff  }
0x16e: {  	v12 =	vld.idx.msk [tilespmem:v16+s3+$0x0], $0xffff  }
0x16f: {  	v9 =	vld.idx.msk [tilespmem:v17+s3+$0x0], $0xffff;
	v8 =	vsub.f32 v8, v11  }
0x170: {  	v11 =	vld.idx.msk [tilespmem:v10+s3+$0x0], $0xffff  }
0x171: {  	v10 =	vld.idx.msk [tilespmem:v18+s3+$0x0], $0xffff;
	v8 =	vmul.f32 v8, v8  }
0x172: {  	v13 =	vld [tilespmem:s0+$0xFFFFFFC0]  }
0x173: {  	v16 =	vld [tilespmem:s0+$0xFFFFFFD0];
	v7 =	vadd.f32 v8, v7  }
.Ltmp5:
0x174: {  	v20 =	vld [tilespmem:s0+$0xFFFFFFE0];
	(pc) =	sbr.rel @p0 .LBB2_12-.Ltmp5, $4  }
0x175: {  	v21 =	vld [tilespmem:s0+$0xFFFFFFF0]  }
0x176: {  	v19 =	vld [tilespmem:s0+$0x0]  }
0x177: {  	v8 =	vsub.f32 v13, v11;
	v17 =	vld [tilespmem:s0+$0x10]  }
0x178: {  	s29 =	sadd.s32 $0x80, s29;
	v22 =	vsub.f32 v16, v22;
	v18 =	vld [tilespmem:s0+$0x20]  }
0x179: {  	[tilespmem:s24], [sflag:$0x3] =	stream.linear.gather [hbm4b:s10+s3], $0x1000, $0x38;
	[tilespmem:$0x1C780] =	vst v63  }
0x17a: {  	_ = 	snop  }
0x17b: {  	[tilespmem:s25], [sflag:$0x3] =	stream.strided.gather [hbm4b:s16+s19], $0x1000, s20, s19, $0x38;
	[tilespmem:$0x1C780] =	vst v63  }
0x17c: {  	_ =	swait.ge [sflag:s26], $0x1000  }
0x17d: {  	[sflag:s26] =	ssyncset.done $0x0  }
0x17e: {  	[sflag:s26] =	ssyncadd.s32 $0xFFFFF000  }
0x17f: {  	_ =	swait.ge [sflag:s26], $0x1000  }
0x180: {  	[sflag:s26] =	ssyncset.done $0x0  }
0x181: {  	s0 =	simm.s32 $0x18740;
	[sflag:s26] =	ssyncadd.s32 $0xFFFFF000  }
0x182: {  	v11 =	vld [tilespmem:s0+$0x30]  }
0x183: {  	v13 =	vld [tilespmem:s0+$0xFFFFFFD0]  }
0x184: {  	v16 =	vld [tilespmem:s0+$0xFFFFFFE0]  }
0x185: {  	v23 =	vld [tilespmem:s0+$0xFFFFFFF0]  }
0x186: {  	v24 =	vld [tilespmem:s0+$0x0]  }
0x187: {  	v25 =	vld [tilespmem:s0+$0x10]  }
0x188: {  	v15 =	vsub.f32 v20, v15;
	v26 =	vld [tilespmem:s0+$0x20]  }
0x189: {  	v27 =	vld [tilespmem:s0+$0xFFFFFFC0];
	s0 =	simm.s32 $0x1A740  }
0x18a: {  	v19 =	vsub.f32 v19, v12;
	v15 =	vmul.f32 v15, v15;
	v9 =	vsub.f32 v17, v9;
	v29 =	vld [tilespmem:s0+$0x30]  }
0x18b: {  	v20 =	vmul.f32 v22, v22;
	v17 =	vld [tilespmem:s0+$0xFFFFFFC0]  }
0x18c: {  	v2 =	vadd.f32 v15, v2;
	v15 =	vmul.f32 v19, v19;
	v19 =	vmul.f32 v9, v9;
	v9 =	vld [tilespmem:s0+$0xFFFFFFE0]  }
0x18d: {  	v14 =	vsub.f32 v21, v14;
	v21 =	vld [tilespmem:s0+$0xFFFFFFF0]  }
0x18e: {  	v1 =	vadd.f32 v20, v1;
	v20 =	vld [tilespmem:s0+$0x0]  }
0x18f: {  	v5 =	vadd.f32 v19, v5;
	v19 =	vld [tilespmem:s0+$0x20]  }
0x190: {  	v28 =	vld.idx.msk [tilespmem:v11+s3+$0x0], $0xffff  }
0x191: {  	v30 =	vld.idx.msk [tilespmem:v13+s3+$0x0], $0xffff  }
0x192: {  	v13 =	vld.idx.msk [tilespmem:v23+s3+$0x0], $0xffff;
	v23 =	vmul.f32 v8, v8  }
0x193: {  	v22 =	vld.idx.msk [tilespmem:v27+s3+$0x0], $0xffff  }
0x194: {  	v10 =	vsub.f32 v18, v10;
	v0 =	vadd.f32 v23, v0;
	v23 =	vld [tilespmem:s0+$0xFFFFFFD0]  }
0x195: {  	v14 =	vmul.f32 v14, v14;
	v16 =	vld.idx.msk [tilespmem:v16+s3+$0x0], $0xffff;
	v18 =	vsub.f32 v29, v28  }
0x196: {  	v10 =	vmul.f32 v10, v10;
	v11 =	vld.idx.msk [tilespmem:v24+s3+$0x0], $0xffff  }
0x197: {  	v3 =	vadd.f32 v14, v3;
	v4 =	vadd.f32 v15, v4;
	v8 =	vld.idx.msk [tilespmem:v25+s3+$0x0], $0xffff;
	v14 =	vmul.f32 v18, v18  }
0x198: {  	v6 =	vadd.f32 v10, v6;
	v10 =	vsub.f32 v17, v22;
	v18 =	vld [tilespmem:s0+$0x10]  }
0x199: {  	s2 =	simm.s32 $0x0;
	s29 =	simm.s32 $0x187C0;
	v12 =	vld.idx.msk [tilespmem:v26+s3+$0x0], $0xffff;
	v22 =	vsub.f32 v23, v30;
	v7 =	vadd.f32 v14, v7  }
.LBB2_14:
0x19a: {  	v14 =	vld [tilespmem:s29+$0x30];
	s2 =	sadd.s32 $0x80, s2;
	v10 =	vmul.f32 v10, v10;
	v9 =	vsub.f32 v9, v16  }
0x19b: {  	v15 =	vld [tilespmem:s29+$0xFFFFFFD0];
	p0 =	slt.u32 s2, $0xF80;
	v16 =	vmul.f32 v22, v22;
	v13 =	vsub.f32 v21, v13  }
0x19c: {  	v17 =	vld [tilespmem:s29+$0xFFFFFFE0];
	v0 =	vadd.f32 v10, v0;
	v9 =	vmul.f32 v9, v9;
	v10 =	vsub.f32 v20, v11  }
0x19d: {  	v11 =	vld [tilespmem:s29+$0xFFFFFFF0];
	v1 =	vadd.f32 v16, v1;
	v13 =	vmul.f32 v13, v13;
	v8 =	vsub.f32 v18, v8  }
0x19e: {  	v18 =	vld [tilespmem:s29+$0x0];
	v2 =	vadd.f32 v9, v2;
	v9 =	vmul.f32 v10, v10;
	v10 =	vsub.f32 v19, v12  }
0x19f: {  	v12 =	vld [tilespmem:s29+$0x10];
	v3 =	vadd.f32 v13, v3;
	v8 =	vmul.f32 v8, v8  }
0x1a0: {  	v19 =	vld [tilespmem:s29+$0x20];
	v4 =	vadd.f32 v9, v4;
	v9 =	vmul.f32 v10, v10  }
0x1a1: {  	v10 =	vld [tilespmem:s29+$0xFFFFFFC0];
	v5 =	vadd.f32 v8, v5  }
0x1a2: {  	s0 =	sadd.s32 $0x80, s0;
	v14 =	vld.idx.msk [tilespmem:v14+s3+$0x0], $0xffff;
	v6 =	vadd.f32 v9, v6  }
0x1a3: {  	v9 =	vld [tilespmem:s0+$0x30]  }
0x1a4: {  	v15 =	vld.idx.msk [tilespmem:v15+s3+$0x0], $0xffff  }
0x1a5: {  	v16 =	vld.idx.msk [tilespmem:v17+s3+$0x0], $0xffff  }
0x1a6: {  	v13 =	vld.idx.msk [tilespmem:v11+s3+$0x0], $0xffff  }
0x1a7: {  	v11 =	vld.idx.msk [tilespmem:v18+s3+$0x0], $0xffff  }
0x1a8: {  	v8 =	vld.idx.msk [tilespmem:v12+s3+$0x0], $0xffff;
	v9 =	vsub.f32 v9, v14  }
0x1a9: {  	v10 =	vld.idx.msk [tilespmem:v10+s3+$0x0], $0xffff  }
0x1aa: {  	v12 =	vld.idx.msk [tilespmem:v19+s3+$0x0], $0xffff;
	v9 =	vmul.f32 v9, v9  }
0x1ab: {  	v14 =	vld [tilespmem:s0+$0xFFFFFFC0]  }
0x1ac: {  	v17 =	vld [tilespmem:s0+$0xFFFFFFD0];
	v7 =	vadd.f32 v9, v7  }
.Ltmp6:
0x1ad: {  	v9 =	vld [tilespmem:s0+$0xFFFFFFE0];
	(pc) =	sbr.rel @p0 .LBB2_14-.Ltmp6, $4  }
0x1ae: {  	v21 =	vld [tilespmem:s0+$0xFFFFFFF0]  }
0x1af: {  	v20 =	vld [tilespmem:s0+$0x0]  }
0x1b0: {  	v10 =	vsub.f32 v14, v10;
	v18 =	vld [tilespmem:s0+$0x10]  }
0x1b1: {  	s29 =	sadd.s32 $0x80, s29;
	v22 =	vsub.f32 v17, v15;
	v19 =	vld [tilespmem:s0+$0x20]  }
0x1b2: {  	_ =	swait.ge [sflag:s28], $0x1000  }
0x1b3: {  	[sflag:s28] =	ssyncset.done $0x0  }
0x1b4: {  	[sflag:s28] =	ssyncadd.s32 $0xFFFFF000  }
0x1b5: {  	_ =	swait.ge [sflag:s28], $0x1000  }
0x1b6: {  	[sflag:s28] =	ssyncset.done $0x0  }
0x1b7: {  	s0 =	simm.s32 $0x19740;
	[sflag:s28] =	ssyncadd.s32 $0xFFFFF000  }
0x1b8: {  	v14 =	vld [tilespmem:s0+$0x30]  }
0x1b9: {  	v15 =	vld [tilespmem:s0+$0xFFFFFFD0]  }
0x1ba: {  	v17 =	vld [tilespmem:s0+$0xFFFFFFE0]  }
0x1bb: {  	v23 =	vld [tilespmem:s0+$0xFFFFFFF0]  }
0x1bc: {  	v24 =	vld [tilespmem:s0+$0x0]  }
0x1bd: {  	v25 =	vld [tilespmem:s0+$0x10]  }
0x1be: {  	v26 =	vld [tilespmem:s0+$0x20]  }
0x1bf: {  	v60 =	vmul.f32 v10, v10;
	v27 =	vld [tilespmem:s0+$0xFFFFFFC0];
	s0 =	simm.s32 $0x1B740  }
0x1c0: {  	v16 =	vsub.f32 v9, v16;
	v13 =	vsub.f32 v21, v13;
	v61 =	vmul.f32 v22, v22;
	v29 =	vld [tilespmem:s0+$0x30]  }
0x1c1: {  	v9 =	vadd.f32 v60, v0;
	v8 =	vsub.f32 v18, v8;
	v18 =	vld [tilespmem:s0+$0xFFFFFFC0]  }
0x1c2: {  	v0 =	vadd.f32 v61, v1;
	v1 =	vmul.f32 v16, v16;
	v16 =	vmul.f32 v13, v13;
	v63 =	vld [tilespmem:s0+$0xFFFFFFD0]  }
0x1c3: {  	v13 =	vld [tilespmem:s0+$0xFFFFFFE0]  }
0x1c4: {  	v1 =	vadd.f32 v1, v2;
	v8 =	vmul.f32 v8, v8;
	v2 =	vadd.f32 v16, v3;
	v16 =	vld [tilespmem:s0+$0xFFFFFFF0]  }
0x1c5: {  	v28 =	vld.idx.msk [tilespmem:v14+s3+$0x0], $0xffff  }
0x1c6: {  	v5 =	vadd.f32 v8, v5;
	v8 =	vld [tilespmem:s0+$0x0]  }
0x1c7: {  	v30 =	vld.idx.msk [tilespmem:v15+s3+$0x0], $0xffff  }
0x1c8: {  	v17 =	vld.idx.msk [tilespmem:v17+s3+$0x0], $0xffff  }
0x1c9: {  	v12 =	vsub.f32 v19, v12;
	v62 =	vld.idx.msk [tilespmem:v27+s3+$0x0], $0xffff  }
0x1ca: {  	v15 =	vld.idx.msk [tilespmem:v23+s3+$0x0], $0xffff;
	v19 =	vsub.f32 v29, v28  }
0x1cb: {  	v20 =	vsub.f32 v20, v11;
	v3 =	vmul.f32 v12, v12;
	v14 =	vld.idx.msk [tilespmem:v24+s3+$0x0], $0xffff  }
0x1cc: {  	v10 =	vld.idx.msk [tilespmem:v25+s3+$0x0], $0xffff;
	v12 =	vmul.f32 v19, v19  }
0x1cd: {  	v20 =	vmul.f32 v20, v20;
	v6 =	vadd.f32 v3, v6;
	v11 =	vld.idx.msk [tilespmem:v26+s3+$0x0], $0xffff  }
0x1ce: {  	v19 =	vsub.f32 v18, v62;
	v3 =	vadd.f32 v12, v7;
	v7 =	vld [tilespmem:s0+$0x10]  }
0x1cf: {  	s2 =	simm.s32 $0x0;
	s29 =	simm.s32 $0x197C0;
	v4 =	vadd.f32 v20, v4;
	v18 =	vsub.f32 v63, v30;
	v12 =	vld [tilespmem:s0+$0x20]  }
.LBB2_16:
0x1d0: {  	v20 =	vld [tilespmem:s29+$0x30];
	s2 =	sadd.s32 $0x80, s2;
	v19 =	vmul.f32 v19, v19;
	v13 =	vsub.f32 v13, v17  }
0x1d1: {  	v17 =	vld [tilespmem:s29+$0xFFFFFFD0];
	p0 =	slt.u32 s2, $0xF80;
	v18 =	vmul.f32 v18, v18;
	v15 =	vsub.f32 v16, v15  }
0x1d2: {  	v16 =	vld [tilespmem:s29+$0xFFFFFFE0];
	v9 =	vadd.f32 v19, v9;
	v13 =	vmul.f32 v13, v13;
	v8 =	vsub.f32 v8, v14  }
0x1d3: {  	v14 =	vld [tilespmem:s29+$0xFFFFFFF0];
	v0 =	vadd.f32 v18, v0;
	v15 =	vmul.f32 v15, v15;
	v7 =	vsub.f32 v7, v10  }
0x1d4: {  	v10 =	vld [tilespmem:s29+$0x0];
	v1 =	vadd.f32 v13, v1;
	v8 =	vmul.f32 v8, v8;
	v11 =	vsub.f32 v12, v11  }
0x1d5: {  	v12 =	vld [tilespmem:s29+$0x10];
	v2 =	vadd.f32 v15, v2;
	v7 =	vmul.f32 v7, v7  }
0x1d6: {  	v13 =	vld [tilespmem:s29+$0x20];
	v4 =	vadd.f32 v8, v4;
	v8 =	vmul.f32 v11, v11  }
0x1d7: {  	v11 =	vld [tilespmem:s29+$0xFFFFFFC0];
	v5 =	vadd.f32 v7, v5  }
0x1d8: {  	s0 =	sadd.s32 $0x80, s0;
	v7 =	vld.idx.msk [tilespmem:v20+s3+$0x0], $0xffff;
	v6 =	vadd.f32 v8, v6  }
0x1d9: {  	v8 =	vld [tilespmem:s0+$0x30]  }
0x1da: {  	v18 =	vld.idx.msk [tilespmem:v17+s3+$0x0], $0xffff  }
0x1db: {  	v17 =	vld.idx.msk [tilespmem:v16+s3+$0x0], $0xffff  }
0x1dc: {  	v15 =	vld.idx.msk [tilespmem:v14+s3+$0x0], $0xffff  }
0x1dd: {  	v14 =	vld.idx.msk [tilespmem:v10+s3+$0x0], $0xffff  }
0x1de: {  	v10 =	vld.idx.msk [tilespmem:v12+s3+$0x0], $0xffff;
	v7 =	vsub.f32 v8, v7  }
0x1df: {  	v12 =	vld.idx.msk [tilespmem:v11+s3+$0x0], $0xffff  }
0x1e0: {  	v11 =	vld.idx.msk [tilespmem:v13+s3+$0x0], $0xffff;
	v7 =	vmul.f32 v7, v7  }
0x1e1: {  	v19 =	vld [tilespmem:s0+$0xFFFFFFC0]  }
0x1e2: {  	v20 =	vld [tilespmem:s0+$0xFFFFFFD0];
	v3 =	vadd.f32 v7, v3  }
.Ltmp7:
0x1e3: {  	v13 =	vld [tilespmem:s0+$0xFFFFFFE0];
	(pc) =	sbr.rel @p0 .LBB2_16-.Ltmp7, $4  }
0x1e4: {  	v16 =	vld [tilespmem:s0+$0xFFFFFFF0]  }
0x1e5: {  	v8 =	vld [tilespmem:s0+$0x0]  }
0x1e6: {  	v19 =	vsub.f32 v19, v12;
	v7 =	vld [tilespmem:s0+$0x10]  }
0x1e7: {  	s29 =	sadd.s32 $0x80, s29;
	v18 =	vsub.f32 v20, v18;
	v12 =	vld [tilespmem:s0+$0x20]  }
0x1e8: {  	_ = 	snop  }
0x1e9: {  	v19 =	vmul.f32 v19, v19  }
0x1ea: {  	v13 =	vsub.f32 v13, v17;
	v15 =	vsub.f32 v16, v15  }
0x1eb: {  	v59 =	vmul.f32 v18, v18;
	v9 =	vadd.f32 v19, v9;
	v8 =	vsub.f32 v8, v14  }
0x1ec: {  	v13 =	vmul.f32 v13, v13;
	v7 =	vsub.f32 v7, v10;
	v60 =	vsub.f32 v12, v11  }
0x1ed: {  	v0 =	vadd.f32 v59, v0;
	v61 =	vmul.f32 v15, v15;
	v8 =	vmul.f32 v8, v8  }
0x1ee: {  	v1 =	vadd.f32 v13, v1;
	v7 =	vmul.f32 v7, v7;
	v10 =	vmul.f32 v60, v60  }
0x1ef: {  	v2 =	vadd.f32 v61, v2;
	v4 =	vadd.f32 v8, v4  }
0x1f0: {  	v5 =	vadd.f32 v7, v5;
	v6 =	vadd.f32 v10, v6  }
0x1f1: {  	v0 =	vadd.f32 v0, v9;
	v1 =	vadd.f32 v2, v1  }
0x1f2: {  	v62 =	vadd.f32 v5, v4;
	v3 =	vadd.f32 v3, v6;
	_ =	sdelay $0x1  }
0x1f3: {  	v0 =	vadd.f32 v1, v0;
	v63 =	vadd.f32 v3, v62;
	_ =	sdelay $0x1  }
0x1f4: {  	s31 =	sadd.s32 $0x1, s31;
	v0 =	vadd.f32 v63, v0  }
0x1f5: {  	p0 =	sne.s32 s31, s18  }
.Ltmp8:
0x1f6: {  	s0 =	simm.s32 $0x1C700;
	[tilespmem:$0x1C700] =	vst v0;
	(pc) =	sbr.rel @p0 .LBB2_1-.Ltmp8, $4  }
0x1f7: {  	[hbm4b:s17+s3] =	stream.linear.scatter [tilespmem:s0], [sflag:$0x4], $0x80, $0x38;
	[tilespmem:$0x1C780] =	vst v63  }
0x1f8: {  	_ =	swait.ge [sflag:s30], $0x80  }
0x1f9: {  	[sflag:s30] =	ssyncset.done $0x0  }
0x1fa: {  	[sflag:s30] =	ssyncadd.s32 $0xFFFFFF80  }
0x1fb: {  	_ =	sfence.sel $0x180000  }
0x1fc: {  	[bflag:$0x0] =	sbarrier.arrive $0xFFFF  }
0x1fd: {  	_ =	strace $0x90000047  }
0x1fe: {  	s0 =	stileid.u32;
	[bflag:$0x2] =	sbarrier.arrive $0xFFFF  }
0x1ff: {  	p0 =	sne.s32 s0, $0x0;
	s0 =	rddreg [dreg:$0x4]  }
0x200: {  	s0 =	sadd.s32 @!p0 $0x100000, s0  }
0x201: {  	[sflag:s0] =	ssyncadd.tile.s32 @!p0 $0x1;
	_ =	shalt  }
.Lfunc_end2:
_tile_overlayer_lowered:
.L_overlay_start_2:
0x202: {  	(tag) =	ssettag $0x2  }
0x203: {  	s0 =	rddreg [dreg:$0x0];
	s2 =	stileid.u32  }
0x204: {  	s1 =	rddreg [dreg:$0x1];
	p0 =	sne.s32 s2, $0x0  }
0x205: {  	s3 =	rddreg [dreg:$0x2];
	[bflag:$0x3] =	sbarrier.arrive $0xFFFF;
	s2 =	simm.s32 @!p0 $0x1C04  }
0x206: {  	[timem:s3], [sflag:s2] =	dma.local @!p0 [hbm:s0], s1  }
0x207: {  	s0 =	simm.s32 @!p0 $0x4  }
0x208: {  	_ =	swait.ge @!p0 [sflag:s0], s1  }
0x209: {  	s1 =	ssub.s32 @!p0 $0x0, s1;
	[sflag:s0] =	ssyncset.done @!p0 $0x0  }
0x20a: {  	[sflag:s0] =	ssyncadd.s32 @!p0 s1  }
0x20b: {  	[bflag:$0x3] =	sbarrier.arrive $0xFFFF  }
0x20c: {  	_ =	shalt  }

</sc_bundles>
